<compile_context>
chip_gen: v7x
topology: tpu7x:2x2x1
jax: 0.10.2.dev20260603
libtpu: 0.0.44.dev20260713+nightly
codegen_flags: <defaults>
</compile_context>

<pallas_src>
import functools

import jax
import jax.numpy as jnp
from jax import lax
from jax.experimental import pallas as pl
from jax.experimental.pallas import tpu as pltpu
from jax.experimental.pallas import tpu_sc as plsc

_N = 10000
_E = 320000
_R = 8

_NC = 2
_NS = 16
_L = 16

_NP = 10240
_NRP = _NP * _R
_TRASH = _N

_KI = 128
_CR = 16
_RPT = 160
_EROWS = _RPT * _NS
_EP = _EROWS * _KI

_BN = 1024


def _sc_mesh():
    return plsc.VectorSubcoreMesh(
        core_axis_name="c", subcore_axis_name="s",
        num_cores=_NC, num_subcores=_NS)


def _tc_table(h, warr, bias, act):
    n_parts = warr.shape[0]
    w_part = warr.shape[2] // _R
    nb = _NP // _BN

    def body(h_ref, w_ref, b_ref, o_ref):
        hv = h_ref[...]
        if act:
            hv = jnp.maximum(hv + b_ref[...], 0.0)
        res = jnp.dot(hv, w_ref[0], preferred_element_type=jnp.float32)
        o_ref[...] = res.reshape(1, _BN, _R, w_part)

    d_in = h.shape[1]
    return pl.pallas_call(
        body,
        grid=(n_parts, nb),
        in_specs=[
            pl.BlockSpec((_BN, d_in), lambda c, i: (i, 0)),
            pl.BlockSpec((1, d_in, _R * w_part), lambda c, i: (c, 0, 0)),
            pl.BlockSpec((1, d_in), lambda c, i: (0, 0)),
        ],
        out_specs=pl.BlockSpec((1, _BN, _R, w_part), lambda c, i: (c, i, 0, 0)),
        out_shape=jax.ShapeDtypeStruct((n_parts, _NP, _R, w_part), jnp.float32),
    )(h, warr, bias)


def _tc_score_head(parts, bias, wpp, bpvec):
    d_in = parts.shape[2]
    nb = _NP // _BN

    def body(p_ref, b_ref, w_ref, bp_ref, o_ref):
        hv = p_ref[0] + p_ref[1] + b_ref[...]
        o_ref[...] = (jnp.dot(hv, w_ref[...], preferred_element_type=jnp.float32)
                      + bp_ref[...])

    return pl.pallas_call(
        body,
        grid=(nb,),
        in_specs=[
            pl.BlockSpec((2, _BN, d_in), lambda i: (0, i, 0)),
            pl.BlockSpec((1, d_in), lambda i: (0, 0)),
            pl.BlockSpec((d_in, 2), lambda i: (0, 0)),
            pl.BlockSpec((1, 2), lambda i: (0, 0)),
        ],
        out_specs=pl.BlockSpec((_BN, 2), lambda i: (i, 0)),
        out_shape=jax.ShapeDtypeStruct((_NP, 2), jnp.float32),
    )(parts, bias, wpp, bpvec)


def _sc_edge_agg_fs(table, idx_st, dst_rows):
    w = 128

    @functools.partial(
        pl.kernel,
        out_type=jax.ShapeDtypeStruct((_NP, 2 * w), jnp.float32),
        mesh=_sc_mesh(),
        scratch_types=[
            pltpu.VMEM((_CR, _KI), jnp.int32),
            pltpu.VMEM((_CR, _KI), jnp.int32),
            pltpu.VMEM((_KI, w), jnp.float32),
            pltpu.VMEM_SHARED((_NP, w), jnp.float32),
            pltpu.SemaphoreType.DMA,
        ],
    )
    def agg(table_hbm, idx_hbm, dst_hbm, out_hbm, idx_v, dst_v, rows_v, acc, sem):
        c = lax.axis_index("c")
        s = lax.axis_index("s")
        rbase = s * _RPT

        zv = jnp.zeros((_L,), jnp.float32)

        def zrow(i, _):
            for j in range(w // _L):
                rows_v[i, pl.ds(j * _L, _L)] = zv
            return 0
        lax.fori_loop(0, _KI, zrow, 0)

        zb = s * (_NP // _NS)

        def zcp(k, _):
            pltpu.sync_copy(rows_v, acc.at[pl.ds(zb + k * _KI, _KI)])
            return 0
        lax.fori_loop(0, _NP // _NS // _KI, zcp, 0)
        plsc.subcore_barrier()

        def chunk(t, _):
            rb = rbase + t * _CR
            pltpu.sync_copy(idx_hbm.at[c, pl.ds(rb, _CR)], idx_v)
            pltpu.sync_copy(dst_hbm.at[pl.ds(rb, _CR)], dst_v)

            def step(k, _):
                pltpu.async_copy(table_hbm.at[idx_v.at[k]], rows_v, sem).wait()
                pltpu.sync_copy(rows_v, acc.at[dst_v.at[k]], add=True)
                return 0
            lax.fori_loop(0, _CR, step, 0)
            return 0
        lax.fori_loop(0, _RPT // _CR, chunk, 0)
        plsc.subcore_barrier()

        def ocp(k, _):
            pltpu.sync_copy(
                acc.at[pl.ds(zb + k * _KI, _KI)],
                out_hbm.at[pl.ds(zb + k * _KI, _KI), pl.ds(c * w, w)])
            return 0
        lax.fori_loop(0, _NP // _NS // _KI, ocp, 0)

    return agg(table, idx_st, dst_rows)


def _sc_edge_agg_es(table, idx_st, dst_rows):
    w = 128
    rpt = _EROWS // (_NC * _NS)

    @functools.partial(
        pl.kernel,
        out_type=jax.ShapeDtypeStruct((2, _NP, w), jnp.float32),
        mesh=_sc_mesh(),
        scratch_types=[
            pltpu.VMEM((_CR, _KI), jnp.int32),
            pltpu.VMEM((_CR, _KI), jnp.int32),
            pltpu.VMEM((_KI, w), jnp.float32),
            pltpu.VMEM_SHARED((_NP, w), jnp.float32),
            pltpu.SemaphoreType.DMA,
        ],
    )
    def agg(table_hbm, idx_hbm, dst_hbm, out_hbm, idx_v, dst_v, rows_v, acc, sem):
        c = lax.axis_index("c")
        s = lax.axis_index("s")
        rbase = c * (_EROWS // _NC) + s * rpt

        zv = jnp.zeros((_L,), jnp.float32)

        def zrow(i, _):
            for j in range(w // _L):
                rows_v[i, pl.ds(j * _L, _L)] = zv
            return 0
        lax.fori_loop(0, _KI, zrow, 0)

        zb = s * (_NP // _NS)

        def zcp(k, _):
            pltpu.sync_copy(rows_v, acc.at[pl.ds(zb + k * _KI, _KI)])
            return 0
        lax.fori_loop(0, _NP // _NS // _KI, zcp, 0)
        plsc.subcore_barrier()

        def chunk(t, _):
            rb = rbase + t * _CR
            pltpu.sync_copy(idx_hbm.at[0, pl.ds(rb, _CR)], idx_v)
            pltpu.sync_copy(dst_hbm.at[pl.ds(rb, _CR)], dst_v)

            def step(k, _):
                pltpu.async_copy(table_hbm.at[idx_v.at[k]], rows_v, sem).wait()
                pltpu.sync_copy(rows_v, acc.at[dst_v.at[k]], add=True)
                return 0
            lax.fori_loop(0, _CR, step, 0)
            return 0
        lax.fori_loop(0, rpt // _CR, chunk, 0)
        plsc.subcore_barrier()

        def ocp(k, _):
            pltpu.sync_copy(
                acc.at[pl.ds(zb + k * _KI, _KI)],
                out_hbm.at[c, pl.ds(zb + k * _KI, _KI)])
            return 0
        lax.fori_loop(0, _NP // _NS // _KI, ocp, 0)

    return agg(table, idx_st, dst_rows)


_EPW = _E // (_NC * _NS)


def _sc_score(sa_h, sb_h, src_h, dst_h):
    @functools.partial(
        pl.kernel,
        out_type=jax.ShapeDtypeStruct((_E,), jnp.float32),
        mesh=_sc_mesh(),
        compiler_params=pltpu.CompilerParams(needs_layout_passes=False),
        scratch_types=[
            pltpu.VMEM((_NP,), jnp.float32),
            pltpu.VMEM((_NP,), jnp.float32),
            pltpu.VMEM((_EPW,), jnp.int32),
            pltpu.VMEM((_EPW,), jnp.int32),
            pltpu.VMEM((_EPW,), jnp.float32),
        ],
    )
    def score(sa_hbm, sb_hbm, src_hbm, dst_hbm, out_hbm, sa, sb, srcb, dstb, ob):
        c = lax.axis_index("c")
        s = lax.axis_index("s")
        e0 = (s * _NC + c) * _EPW
        pltpu.sync_copy(sa_hbm, sa)
        pltpu.sync_copy(sb_hbm, sb)
        pltpu.sync_copy(src_hbm.at[pl.ds(e0, _EPW)], srcb)
        pltpu.sync_copy(dst_hbm.at[pl.ds(e0, _EPW)], dstb)

        def step(i, _):
            iv = srcb[pl.ds(i * _L, _L)]
            jv = dstb[pl.ds(i * _L, _L)]
            a = plsc.load_gather(sa, [iv])
            b = plsc.load_gather(sb, [jv])
            ob[pl.ds(i * _L, _L)] = a + b
            return 0
        lax.fori_loop(0, _EPW // _L, step, 0)
        pltpu.sync_copy(ob, out_hbm.at[pl.ds(e0, _EPW)])

    return score(sa_h, sb_h, src_h, dst_h)


def _prep_w(coeff, basis, n_parts):
    wfull = jnp.einsum('rb,bio->rio', coeff, basis)
    w_part = wfull.shape[2] // n_parts
    parts = [
        wfull[:, :, c * w_part:(c + 1) * w_part]
        .transpose(1, 0, 2).reshape(wfull.shape[1], _R * w_part)
        for c in range(n_parts)
    ]
    return jnp.stack(parts)


def kernel(x, edge_index, etypes, basis0, coeff0, bias0, basis1, coeff1,
           bias1, basis2, coeff2, bias2, Wp, bp):
    src = edge_index[0]
    dst = edge_index[1]

    idx = src * _R + etypes
    pad = _EP - _E
    idx_p = jnp.concatenate([idx, jnp.zeros((pad,), jnp.int32)])
    idx_st = jnp.stack([idx_p, idx_p + _NRP]).reshape(2, _EROWS, _KI)
    dst_rows = jnp.concatenate(
        [dst, jnp.full((pad,), _TRASH, jnp.int32)]).reshape(_EROWS, _KI)

    w0 = _prep_w(coeff0, basis0, 2)
    w1 = _prep_w(coeff1, basis1, 2)
    w2 = _prep_w(coeff2, basis2, 1)
    b0 = bias0.reshape(1, -1)
    b1 = bias1.reshape(1, -1)
    b2 = bias2.reshape(1, -1)

    xp = jnp.concatenate(
        [x, jnp.zeros((_NP - _N, x.shape[1]), jnp.float32)])

    t0 = _tc_table(xp, w0, b0, act=False)
    h1 = _sc_edge_agg_fs(t0.reshape(2 * _NRP, 128), idx_st, dst_rows)
    t1 = _tc_table(h1, w1, b0, act=True)
    h2 = _sc_edge_agg_fs(t1.reshape(2 * _NRP, 128), idx_st, dst_rows)
    t2 = _tc_table(h2, w2, b1, act=True)
    h3p = _sc_edge_agg_es(t2.reshape(_NRP, 128), idx_st, dst_rows)

    wpp = jnp.concatenate([Wp[:128], Wp[128:]], axis=1)
    bpvec = jnp.full((1, 2), bp[0] * 0.5, jnp.float32)
    s2 = _tc_score_head(h3p, b2, wpp, bpvec)
    score = _sc_score(s2[:, 0], s2[:, 1], src, dst)
    return score.reshape(_E, 1)

# --- scband reference (transcript-rebuilt; emitter-appended) ---
"""Pipeline reference for scband-edge-classify-47201690583401 (READ-ONLY COPY).

The authoritative reference and input builder live on the scoring server;
editing this copy changes nothing except your own understanding.
"""

import jax, jax.numpy as jnp
import numpy as np

N = 10000
E = 320000
R = 8
B = 4
F_IN = 128
H = 256
OUT = 128


def setup_inputs(seed: int = 0) -> dict:
    key = jax.random.key(seed)
    ks = [jax.random.fold_in(key, i) for i in range(16)]
    x = jax.random.normal(ks[0], (N, F_IN), dtype=jnp.float32)
    edge_index = jax.random.randint(ks[1], (2, E), 0, N, dtype=jnp.int32)
    etypes = jax.random.randint(ks[2], (E,), 0, R, dtype=jnp.int32)
    basis0 = jax.random.normal(ks[3], (B, F_IN, H), dtype=jnp.float32) * (1.0 / np.sqrt(F_IN))
    coeff0 = jax.random.normal(ks[4], (R, B), dtype=jnp.float32) * (1.0 / np.sqrt(B))
    bias0 = jnp.zeros((H,), dtype=jnp.float32)
    basis1 = jax.random.normal(ks[5], (B, H, H), dtype=jnp.float32) * (1.0 / np.sqrt(H))
    coeff1 = jax.random.normal(ks[6], (R, B), dtype=jnp.float32) * (1.0 / np.sqrt(B))
    bias1 = jnp.zeros((H,), dtype=jnp.float32)
    basis2 = jax.random.normal(ks[7], (B, H, OUT), dtype=jnp.float32) * (1.0 / np.sqrt(H))
    coeff2 = jax.random.normal(ks[8], (R, B), dtype=jnp.float32) * (1.0 / np.sqrt(B))
    bias2 = jnp.zeros((OUT,), dtype=jnp.float32)
    Wp = jax.random.normal(ks[9], (2 * OUT, 1), dtype=jnp.float32) * (1.0 / np.sqrt(2 * OUT))
    bp = jnp.zeros((1,), dtype=jnp.float32)
    return {
        "x": x,
        "edge_index": edge_index,
        "etypes": etypes,
        "basis0": basis0, "coeff0": coeff0, "bias0": bias0,
        "basis1": basis1, "coeff1": coeff1, "bias1": bias1,
        "basis2": basis2, "coeff2": coeff2, "bias2": bias2,
        "Wp": Wp, "bp": bp,
    }


def reference(x, edge_index, etypes, basis0, coeff0, bias0, basis1, coeff1, bias1, basis2, coeff2, bias2, Wp, bp):
    src = edge_index[0]
    dst = edge_index[1]

    def rel_conv(h, basis, coeff, bias, act):
        # basis decomposition: W_r = sum_b coeff[r,b] * basis[b]
        W = jnp.einsum('rb,bio->rio', coeff, basis)  # [R, in, out]
        # low-mem: transform node feats per relation, then gather per edge
        xw = jnp.einsum('ni,rio->nro', h, W)  # [N, R, out]
        msg = xw[src, etypes]  # [E, out] gather
        out = jax.ops.segment_sum(msg, dst, num_segments=N) + bias
        if act:
            out = jax.nn.relu(out)
        return out

    h = rel_conv(x, basis0, coeff0, bias0, True)   # input layer
    h = rel_conv(h, basis1, coeff1, bias1, True)   # hidden layer
    h = rel_conv(h, basis2, coeff2, bias2, False)  # output layer (no activation)
    # ScorePredictor (edge_feats=None branch): score = Linear(cat(src_x, dst_x))
    score = jnp.concatenate([h[src], h[dst]], axis=1) @ Wp + bp  # [E, 1]
    return score

if __name__ == "__main__":
    import jax
    _d = setup_inputs()
    print(jax.jit(kernel)(*tuple(_d.values())))

</pallas_src>

<mosaic_0001>
#map = affine_map<(d0, d1) -> (0, 0)>
#map1 = affine_map<(d0, d1) -> (0, 0, 0)>
module attributes {stable_mosaic.version = 14 : i64} {
  func.func @agg(%arg0: i32, %arg1: i32, %arg2: memref<163840x128xf32, #tpu.memory_space<hbm>>, %arg3: memref<2x2560x128xi32, #tpu.memory_space<hbm>>, %arg4: memref<2560x128xi32, #tpu.memory_space<hbm>>, %arg5: memref<10240x256xf32, #tpu.memory_space<hbm>>, %arg6: memref<16x128xi32, #tpu.memory_space<vmem>>, %arg7: memref<16x128xi32, #tpu.memory_space<vmem>>, %arg8: memref<128x128xf32, #tpu.memory_space<vmem>>, %arg9: memref<10240x128xf32, #tpu.memory_space<vmem_shared>>, %arg10: memref<!tpu.dma_semaphore, #tpu.memory_space<semaphore_mem>>) attributes {dimension_semantics = [#tpu.dimension_semantics<core_parallel>, #tpu.dimension_semantics<subcore_parallel>], iteration_bounds = array<i64: 2, 16>, scalar_prefetch = 0 : i64, scratch_operands = 5 : i64, tpu.core_type = #tpu.core_type<sc_vector_subcore>, window_params = [{transform_indices = #map}, {transform_indices = #map1}, {transform_indices = #map}, {transform_indices = #map}]} {
    %mul3A = arith.constant 160 : i32
    %mul3A_0 = arith.muli %arg1, %mul3A : i32
    %broadcast_in_dim3A = arith.constant 0.000000e+00 : f32
    %broadcast_in_dim3A_1 = vector.broadcast %broadcast_in_dim3A : f32 to vector<16xf32>
    %scan3A = arith.constant 0 : i32
    %scan3A_2 = arith.constant 0 : i32
    %scan3A_3 = arith.constant 128 : i32
    %scan3A_4 = arith.addi %scan3A_2, %scan3A_3 : i32
    %scan3A_5 = arith.constant 1 : i32
    %scan3A_6 = scf.for %scan3A_32 = %scan3A_2 to %scan3A_4 step %scan3A_5 iter_args(%scan3A_33 = %scan3A) -> (i32)  : i32 {
      %swap3A = arith.index_cast %scan3A_32 : i32 to index
      %swap3A_34 = arith.constant 0 : index
      %swap3A_35 = tpu.vector_load %arg8[%swap3A, %swap3A_34] {strides = array<i32>} : memref<128x128xf32, #tpu.memory_space<vmem>>, vector<1x16xf32>,
      %swap3A_36 = vector.shape_cast %swap3A_35 : vector<1x16xf32> to vector<16xf32>
      %swap3A_37 = vector.shape_cast %broadcast_in_dim3A_1 : vector<16xf32> to vector<1x16xf32>
      tpu.vector_store %arg8[%swap3A, %swap3A_34], %swap3A_37 {strides = array<i32>} : memref<128x128xf32, #tpu.memory_space<vmem>>, vector<1x16xf32>,
      %swap3A_38 = arith.index_cast %scan3A_32 : i32 to index
      %swap3A_39 = arith.constant 16 : index
      %swap3A_40 = tpu.vector_load %arg8[%swap3A_38, %swap3A_39] {strides = array<i32>} : memref<128x128xf32, #tpu.memory_space<vmem>>, vector<1x16xf32>,
      %swap3A_41 = vector.shape_cast %swap3A_40 : vector<1x16xf32> to vector<16xf32>
      %swap3A_42 = vector.shape_cast %broadcast_in_dim3A_1 : vector<16xf32> to vector<1x16xf32>
      tpu.vector_store %arg8[%swap3A_38, %swap3A_39], %swap3A_42 {strides = array<i32>} : memref<128x128xf32, #tpu.memory_space<vmem>>, vector<1x16xf32>,
      %swap3A_43 = arith.index_cast %scan3A_32 : i32 to index
      %swap3A_44 = arith.constant 32 : index
      %swap3A_45 = tpu.vector_load %arg8[%swap3A_43, %swap3A_44] {strides = array<i32>} : memref<128x128xf32, #tpu.memory_space<vmem>>, vector<1x16xf32>,
      %swap3A_46 = vector.shape_cast %swap3A_45 : vector<1x16xf32> to vector<16xf32>
      %swap3A_47 = vector.shape_cast %broadcast_in_dim3A_1 : vector<16xf32> to vector<1x16xf32>
      tpu.vector_store %arg8[%swap3A_43, %swap3A_44], %swap3A_47 {strides = array<i32>} : memref<128x128xf32, #tpu.memory_space<vmem>>, vector<1x16xf32>,
      %swap3A_48 = arith.index_cast %scan3A_32 : i32 to index
      %swap3A_49 = arith.constant 48 : index
      %swap3A_50 = tpu.vector_load %arg8[%swap3A_48, %swap3A_49] {strides = array<i32>} : memref<128x128xf32, #tpu.memory_space<vmem>>, vector<1x16xf32>,
      %swap3A_51 = vector.shape_cast %swap3A_50 : vector<1x16xf32> to vector<16xf32>
      %swap3A_52 = vector.shape_cast %broadcast_in_dim3A_1 : vector<16xf32> to vector<1x16xf32>
      tpu.vector_store %arg8[%swap3A_48, %swap3A_49], %swap3A_52 {strides = array<i32>} : memref<128x128xf32, #tpu.memory_space<vmem>>, vector<1x16xf32>,
      %swap3A_53 = arith.index_cast %scan3A_32 : i32 to index
      %swap3A_54 = arith.constant 64 : index
      %swap3A_55 = tpu.vector_load %arg8[%swap3A_53, %swap3A_54] {strides = array<i32>} : memref<128x128xf32, #tpu.memory_space<vmem>>, vector<1x16xf32>,
      %swap3A_56 = vector.shape_cast %swap3A_55 : vector<1x16xf32> to vector<16xf32>
      %swap3A_57 = vector.shape_cast %broadcast_in_dim3A_1 : vector<16xf32> to vector<1x16xf32>
      tpu.vector_store %arg8[%swap3A_53, %swap3A_54], %swap3A_57 {strides = array<i32>} : memref<128x128xf32, #tpu.memory_space<vmem>>, vector<1x16xf32>,
      %swap3A_58 = arith.index_cast %scan3A_32 : i32 to index
      %swap3A_59 = arith.constant 80 : index
      %swap3A_60 = tpu.vector_load %arg8[%swap3A_58, %swap3A_59] {strides = array<i32>} : memref<128x128xf32, #tpu.memory_space<vmem>>, vector<1x16xf32>,
      %swap3A_61 = vector.shape_cast %swap3A_60 : vector<1x16xf32> to vector<16xf32>
      %swap3A_62 = vector.shape_cast %broadcast_in_dim3A_1 : vector<16xf32> to vector<1x16xf32>
      tpu.vector_store %arg8[%swap3A_58, %swap3A_59], %swap3A_62 {strides = array<i32>} : memref<128x128xf32, #tpu.memory_space<vmem>>, vector<1x16xf32>,
      %swap3A_63 = arith.index_cast %scan3A_32 : i32 to index
      %swap3A_64 = arith.constant 96 : index
      %swap3A_65 = tpu.vector_load %arg8[%swap3A_63, %swap3A_64] {strides = array<i32>} : memref<128x128xf32, #tpu.memory_space<vmem>>, vector<1x16xf32>,
      %swap3A_66 = vector.shape_cast %swap3A_65 : vector<1x16xf32> to vector<16xf32>
      %swap3A_67 = vector.shape_cast %broadcast_in_dim3A_1 : vector<16xf32> to vector<1x16xf32>
      tpu.vector_store %arg8[%swap3A_63, %swap3A_64], %swap3A_67 {strides = array<i32>} : memref<128x128xf32, #tpu.memory_space<vmem>>, vector<1x16xf32>,
      %swap3A_68 = arith.index_cast %scan3A_32 : i32 to index
      %swap3A_69 = arith.constant 112 : index
      %swap3A_70 = tpu.vector_load %arg8[%swap3A_68, %swap3A_69] {strides = array<i32>} : memref<128x128xf32, #tpu.memory_space<vmem>>, vector<1x16xf32>,
      %swap3A_71 = vector.shape_cast %swap3A_70 : vector<1x16xf32> to vector<16xf32>
      %swap3A_72 = vector.shape_cast %broadcast_in_dim3A_1 : vector<16xf32> to vector<1x16xf32>
      tpu.vector_store %arg8[%swap3A_68, %swap3A_69], %swap3A_72 {strides = array<i32>} : memref<128x128xf32, #tpu.memory_space<vmem>>, vector<1x16xf32>,
      %scan3A_73 = arith.constant 0 : i32
      scf.yield %scan3A_73 : i32
    }
    %scan3A_7 = arith.constant 128 : i32
    %mul3A_8 = arith.constant 640 : i32
    %mul3A_9 = arith.muli %arg1, %mul3A_8 : i32
    %scan3A_10 = arith.constant 0 : i32
    %scan3A_11 = arith.constant 0 : i32
    %scan3A_12 = arith.constant 5 : i32
    %scan3A_13 = arith.addi %scan3A_11, %scan3A_12 : i32
    %scan3A_14 = arith.constant 1 : i32
    %scan3A_15 = scf.for %scan3A_32 = %scan3A_11 to %scan3A_13 step %scan3A_14 iter_args(%scan3A_33 = %scan3A_10) -> (i32)  : i32 {
      %mul3A_34 = arith.constant 128 : i32
      %mul3A_35 = arith.muli %scan3A_32, %mul3A_34 : i32
      %add3A = arith.addi %mul3A_9, %mul3A_35 : i32
      "tpu.region"() ({
        %run_scoped3A = tpu.sem_alloc : memref<!tpu.dma_semaphore, #tpu.memory_space<semaphore_mem>>
        %dma_start3A = arith.constant 0 : i32
        %dma_start3A_37 = tpu.memref_slice %arg9[%add3A, %dma_start3A] : memref<10240x128xf32, #tpu.memory_space<vmem_shared>> -> memref<128x128xf32, #tpu.memory_space<vmem_shared>>
        %dma_start3A_38 = arith.constant 0 : i32
        %dma_start3A_39 = tpu.memref_slice %arg9[%add3A, %dma_start3A_38] : memref<10240x128xf32, #tpu.memory_space<vmem_shared>> -> memref<128x128xf32, #tpu.memory_space<vmem_shared>>
        tpu.enqueue_dma source(%arg8 : memref<128x128xf32, #tpu.memory_space<vmem>>) target(%dma_start3A_39 : memref<128x128xf32, #tpu.memory_space<vmem_shared>>) target_semaphore(%run_scoped3A : memref<!tpu.dma_semaphore, #tpu.memory_space<semaphore_mem>>)
        %dma_wait3A = arith.constant 0 : i32
        %dma_wait3A_40 = tpu.memref_slice %arg9[%add3A, %dma_wait3A] : memref<10240x128xf32, #tpu.memory_space<vmem_shared>> -> memref<128x128xf32, #tpu.memory_space<vmem_shared>>
        %dma_wait3A_41 = arith.constant 0 : i32
        %dma_wait3A_42 = tpu.memref_slice %arg9[%add3A, %dma_wait3A_41] : memref<10240x128xf32, #tpu.memory_space<vmem_shared>> -> memref<128x128xf32, #tpu.memory_space<vmem_shared>>
        tpu.wait_dma2 semaphore(%run_scoped3A : memref<!tpu.dma_semaphore, #tpu.memory_space<semaphore_mem>>) src(%arg8 : memref<128x128xf32, #tpu.memory_space<vmem>>) dst(%dma_wait3A_42 : memref<128x128xf32, #tpu.memory_space<vmem_shared>>)
        tpu.yield
      }) : () -> ()
      %scan3A_36 = arith.constant 0 : i32
      scf.yield %scan3A_36 : i32
    }
    %scan3A_16 = arith.constant 5 : i32
    %barrier3A = arith.constant 0 : index
    tpu.barrier barrier_id(%barrier3A)
    %scan3A_17 = arith.constant 0 : i32
    %scan3A_18 = arith.constant 0 : i32
    %scan3A_19 = arith.constant 10 : i32
    %scan3A_20 = arith.addi %scan3A_18, %scan3A_19 : i32
    %scan3A_21 = arith.constant 1 : i32
    %scan3A_22 = scf.for %scan3A_32 = %scan3A_18 to %scan3A_20 step %scan3A_21 iter_args(%scan3A_33 = %scan3A_17) -> (i32)  : i32 {
      %mul3A_34 = arith.constant 16 : i32
      %mul3A_35 = arith.muli %scan3A_32, %mul3A_34 : i32
      %add3A = arith.addi %mul3A_0, %mul3A_35 : i32
      "tpu.region"() ({
        %run_scoped3A = tpu.sem_alloc : memref<!tpu.dma_semaphore, #tpu.memory_space<semaphore_mem>>
        %dma_start3A = arith.constant 0 : i32
        %dma_start3A_44 = tpu.memref_slice %arg3[%arg0, %add3A, %dma_start3A] : memref<2x2560x128xi32, #tpu.memory_space<hbm>> -> memref<1x16x128xi32, #tpu.memory_space<hbm>>
        %dma_start3A_45 = tpu.memref_squeeze %dma_start3A_44 : memref<1x16x128xi32, #tpu.memory_space<hbm>> -> memref<16x128xi32, #tpu.memory_space<hbm>>
        %dma_start3A_46 = arith.constant 0 : i32
        %dma_start3A_47 = tpu.memref_slice %arg3[%arg0, %add3A, %dma_start3A_46] : memref<2x2560x128xi32, #tpu.memory_space<hbm>> -> memref<1x16x128xi32, #tpu.memory_space<hbm>>
        %dma_start3A_48 = tpu.memref_squeeze %dma_start3A_47 : memref<1x16x128xi32, #tpu.memory_space<hbm>> -> memref<16x128xi32, #tpu.memory_space<hbm>>
        tpu.enqueue_dma source(%dma_start3A_48 : memref<16x128xi32, #tpu.memory_space<hbm>>) target(%arg6 : memref<16x128xi32, #tpu.memory_space<vmem>>) target_semaphore(%run_scoped3A : memref<!tpu.dma_semaphore, #tpu.memory_space<semaphore_mem>>)
        %dma_wait3A = arith.constant 0 : i32
        %dma_wait3A_49 = tpu.memref_slice %arg3[%arg0, %add3A, %dma_wait3A] : memref<2x2560x128xi32, #tpu.memory_space<hbm>> -> memref<1x16x128xi32, #tpu.memory_space<hbm>>
        %dma_wait3A_50 = tpu.memref_squeeze %dma_wait3A_49 : memref<1x16x128xi32, #tpu.memory_space<hbm>> -> memref<16x128xi32, #tpu.memory_space<hbm>>
        %dma_wait3A_51 = arith.constant 0 : i32
        %dma_wait3A_52 = tpu.memref_slice %arg3[%arg0, %add3A, %dma_wait3A_51] : memref<2x2560x128xi32, #tpu.memory_space<hbm>> -> memref<1x16x128xi32, #tpu.memory_space<hbm>>
        %dma_wait3A_53 = tpu.memref_squeeze %dma_wait3A_52 : memref<1x16x128xi32, #tpu.memory_space<hbm>> -> memref<16x128xi32, #tpu.memory_space<hbm>>
        tpu.wait_dma2 semaphore(%run_scoped3A : memref<!tpu.dma_semaphore, #tpu.memory_space<semaphore_mem>>) src(%dma_wait3A_53 : memref<16x128xi32, #tpu.memory_space<hbm>>) dst(%arg6 : memref<16x128xi32, #tpu.memory_space<vmem>>)
        tpu.yield
      }) : () -> ()
      "tpu.region"() ({
        %run_scoped3A = tpu.sem_alloc : memref<!tpu.dma_semaphore, #tpu.memory_space<semaphore_mem>>
        %dma_start3A = arith.constant 0 : i32
        %dma_start3A_44 = tpu.memref_slice %arg4[%add3A, %dma_start3A] : memref<2560x128xi32, #tpu.memory_space<hbm>> -> memref<16x128xi32, #tpu.memory_space<hbm>>
        %dma_start3A_45 = arith.constant 0 : i32
        %dma_start3A_46 = tpu.memref_slice %arg4[%add3A, %dma_start3A_45] : memref<2560x128xi32, #tpu.memory_space<hbm>> -> memref<16x128xi32, #tpu.memory_space<hbm>>
        tpu.enqueue_dma source(%dma_start3A_46 : memref<16x128xi32, #tpu.memory_space<hbm>>) target(%arg7 : memref<16x128xi32, #tpu.memory_space<vmem>>) target_semaphore(%run_scoped3A : memref<!tpu.dma_semaphore, #tpu.memory_space<semaphore_mem>>)
        %dma_wait3A = arith.constant 0 : i32
        %dma_wait3A_47 = tpu.memref_slice %arg4[%add3A, %dma_wait3A] : memref<2560x128xi32, #tpu.memory_space<hbm>> -> memref<16x128xi32, #tpu.memory_space<hbm>>
        %dma_wait3A_48 = arith.constant 0 : i32
        %dma_wait3A_49 = tpu.memref_slice %arg4[%add3A, %dma_wait3A_48] : memref<2560x128xi32, #tpu.memory_space<hbm>> -> memref<16x128xi32, #tpu.memory_space<hbm>>
        tpu.wait_dma2 semaphore(%run_scoped3A : memref<!tpu.dma_semaphore, #tpu.memory_space<semaphore_mem>>) src(%dma_wait3A_49 : memref<16x128xi32, #tpu.memory_space<hbm>>) dst(%arg7 : memref<16x128xi32, #tpu.memory_space<vmem>>)
        tpu.yield
      }) : () -> ()
      %scan3A_36 = arith.constant 0 : i32
      %scan3A_37 = arith.constant 0 : i32
      %scan3A_38 = arith.constant 16 : i32
      %scan3A_39 = arith.addi %scan3A_37, %scan3A_38 : i32
      %scan3A_40 = arith.constant 1 : i32
      %scan3A_41 = scf.for %scan3A_44 = %scan3A_37 to %scan3A_39 step %scan3A_40 iter_args(%scan3A_45 = %scan3A_36) -> (i32)  : i32 {
        %dma_start3A = arith.constant 0 : i32
        %dma_start3A_46 = tpu.memref_slice %arg6[%scan3A_44, %dma_start3A] : memref<16x128xi32, #tpu.memory_space<vmem>> -> memref<1x128xi32, #tpu.memory_space<vmem>>
        %dma_start3A_47 = tpu.memref_squeeze %dma_start3A_46 : memref<1x128xi32, #tpu.memory_space<vmem>> -> memref<128xi32, #tpu.memory_space<vmem>>
        %dma_start3A_48 = arith.constant 0 : i32
        %dma_start3A_49 = arith.constant 0 : i32
        %dma_start3A_50 = tpu.memref_slice %arg2[%dma_start3A_48, %dma_start3A_49] : memref<163840x128xf32, #tpu.memory_space<hbm>> -> memref<163840x128xf32, #tpu.memory_space<hbm>>
        tpu.enqueue_indirect_dma source(%dma_start3A_50 : memref<163840x128xf32, #tpu.memory_space<hbm>>) target(%arg8 : memref<128x128xf32, #tpu.memory_space<vmem>>) offsets(%dma_start3A_47 : memref<128xi32, #tpu.memory_space<vmem>>) semaphore(%arg10 : memref<!tpu.dma_semaphore, #tpu.memory_space<semaphore_mem>>)
        %dma_wait3A = arith.constant 0 : i32
        %dma_wait3A_51 = tpu.memref_slice %arg6[%scan3A_44, %dma_wait3A] : memref<16x128xi32, #tpu.memory_space<vmem>> -> memref<1x128xi32, #tpu.memory_space<vmem>>
        %dma_wait3A_52 = tpu.memref_squeeze %dma_wait3A_51 : memref<1x128xi32, #tpu.memory_space<vmem>> -> memref<128xi32, #tpu.memory_space<vmem>>
        %dma_wait3A_53 = arith.constant 0 : i32
        %dma_wait3A_54 = arith.constant 0 : i32
        %dma_wait3A_55 = tpu.memref_slice %arg2[%dma_wait3A_53, %dma_wait3A_54] : memref<163840x128xf32, #tpu.memory_space<hbm>> -> memref<163840x128xf32, #tpu.memory_space<hbm>>
        tpu.wait_indirect_dma semaphore(%arg10 : memref<!tpu.dma_semaphore, #tpu.memory_space<semaphore_mem>>) src(%dma_wait3A_55 : memref<163840x128xf32, #tpu.memory_space<hbm>>) dst(%arg8 : memref<128x128xf32, #tpu.memory_space<vmem>>)
        "tpu.region"() ({
          %run_scoped3A = tpu.sem_alloc : memref<!tpu.dma_semaphore, #tpu.memory_space<semaphore_mem>>
          %dma_start3A_57 = arith.constant 0 : i32
          %dma_start3A_58 = tpu.memref_slice %arg7[%scan3A_44, %dma_start3A_57] : memref<16x128xi32, #tpu.memory_space<vmem>> -> memref<1x128xi32, #tpu.memory_space<vmem>>
          %dma_start3A_59 = tpu.memref_squeeze %dma_start3A_58 : memref<1x128xi32, #tpu.memory_space<vmem>> -> memref<128xi32, #tpu.memory_space<vmem>>
          %dma_start3A_60 = arith.constant 0 : i32
          %dma_start3A_61 = arith.constant 0 : i32
          %dma_start3A_62 = tpu.memref_slice %arg9[%dma_start3A_60, %dma_start3A_61] : memref<10240x128xf32, #tpu.memory_space<vmem_shared>> -> memref<10240x128xf32, #tpu.memory_space<vmem_shared>>
          tpu.enqueue_indirect_dma source(%arg8 : memref<128x128xf32, #tpu.memory_space<vmem>>) target(%dma_start3A_62 : memref<10240x128xf32, #tpu.memory_space<vmem_shared>>) offsets(%dma_start3A_59 : memref<128xi32, #tpu.memory_space<vmem>>) semaphore(%run_scoped3A : memref<!tpu.dma_semaphore, #tpu.memory_space<semaphore_mem>>) {add = true}
          %dma_wait3A_63 = arith.constant 0 : i32
          %dma_wait3A_64 = tpu.memref_slice %arg7[%scan3A_44, %dma_wait3A_63] : memref<16x128xi32, #tpu.memory_space<vmem>> -> memref<1x128xi32, #tpu.memory_space<vmem>>
          %dma_wait3A_65 = tpu.memref_squeeze %dma_wait3A_64 : memref<1x128xi32, #tpu.memory_space<vmem>> -> memref<128xi32, #tpu.memory_space<vmem>>
          %dma_wait3A_66 = arith.constant 0 : i32
          %dma_wait3A_67 = arith.constant 0 : i32
          %dma_wait3A_68 = tpu.memref_slice %arg9[%dma_wait3A_66, %dma_wait3A_67] : memref<10240x128xf32, #tpu.memory_space<vmem_shared>> -> memref<10240x128xf32, #tpu.memory_space<vmem_shared>>
          tpu.wait_indirect_dma semaphore(%run_scoped3A : memref<!tpu.dma_semaphore, #tpu.memory_space<semaphore_mem>>) src(%arg8 : memref<128x128xf32, #tpu.memory_space<vmem>>) dst(%dma_wait3A_68 : memref<10240x128xf32, #tpu.memory_space<vmem_shared>>)
          tpu.yield
        }) : () -> ()
        %scan3A_56 = arith.constant 0 : i32
        scf.yield %scan3A_56 : i32
      }
      %scan3A_42 = arith.constant 16 : i32
      %scan3A_43 = arith.constant 0 : i32
      scf.yield %scan3A_43 : i32
    }
    %scan3A_23 = arith.constant 10 : i32
    %barrier3A_24 = arith.constant 0 : index
    tpu.barrier barrier_id(%barrier3A_24)
    %scan3A_25 = arith.constant 0 : i32
    %scan3A_26 = arith.constant 0 : i32
    %scan3A_27 = arith.constant 5 : i32
    %scan3A_28 = arith.addi %scan3A_26, %scan3A_27 : i32
    %scan3A_29 = arith.constant 1 : i32
    %scan3A_30 = scf.for %scan3A_32 = %scan3A_26 to %scan3A_28 step %scan3A_29 iter_args(%scan3A_33 = %scan3A_25) -> (i32)  : i32 {
      %mul3A_34 = arith.constant 128 : i32
      %mul3A_35 = arith.muli %scan3A_32, %mul3A_34 : i32
      %add3A = arith.addi %mul3A_9, %mul3A_35 : i32
      %mul3A_36 = arith.constant 128 : i32
      %mul3A_37 = arith.muli %scan3A_32, %mul3A_36 : i32
      %add3A_38 = arith.addi %mul3A_9, %mul3A_37 : i32
      %mul3A_39 = arith.constant 128 : i32
      %mul3A_40 = arith.muli %arg0, %mul3A_39 : i32
      "tpu.region"() ({
        %run_scoped3A = tpu.sem_alloc : memref<!tpu.dma_semaphore, #tpu.memory_space<semaphore_mem>>
        %dma_start3A = tpu.memref_slice %arg5[%add3A_38, %mul3A_40] : memref<10240x256xf32, #tpu.memory_space<hbm>> -> memref<128x128xf32, #tpu.memory_space<hbm>>
        %dma_start3A_42 = arith.constant 0 : i32
        %dma_start3A_43 = tpu.memref_slice %arg9[%add3A, %dma_start3A_42] : memref<10240x128xf32, #tpu.memory_space<vmem_shared>> -> memref<128x128xf32, #tpu.memory_space<vmem_shared>>
        tpu.enqueue_dma source(%dma_start3A_43 : memref<128x128xf32, #tpu.memory_space<vmem_shared>>) target(%dma_start3A : memref<128x128xf32, #tpu.memory_space<hbm>>) target_semaphore(%run_scoped3A : memref<!tpu.dma_semaphore, #tpu.memory_space<semaphore_mem>>)
        %dma_wait3A = tpu.memref_slice %arg5[%add3A_38, %mul3A_40] : memref<10240x256xf32, #tpu.memory_space<hbm>> -> memref<128x128xf32, #tpu.memory_space<hbm>>
        %dma_wait3A_44 = arith.constant 0 : i32
        %dma_wait3A_45 = tpu.memref_slice %arg9[%add3A, %dma_wait3A_44] : memref<10240x128xf32, #tpu.memory_space<vmem_shared>> -> memref<128x128xf32, #tpu.memory_space<vmem_shared>>
        tpu.wait_dma2 semaphore(%run_scoped3A : memref<!tpu.dma_semaphore, #tpu.memory_space<semaphore_mem>>) src(%dma_wait3A_45 : memref<128x128xf32, #tpu.memory_space<vmem_shared>>) dst(%dma_wait3A : memref<128x128xf32, #tpu.memory_space<hbm>>)
        tpu.yield
      }) : () -> ()
      %scan3A_41 = arith.constant 0 : i32
      scf.yield %scan3A_41 : i32
    }
    %scan3A_31 = arith.constant 5 : i32
    return
  }
}

#map = affine_map<(d0, d1) -> (0)>
module attributes {stable_mosaic.version = 14 : i64} {
  func.func @score(%arg0: i32, %arg1: i32, %arg2: memref<10240xf32, #tpu.memory_space<hbm>>, %arg3: memref<10240xf32, #tpu.memory_space<hbm>>, %arg4: memref<320000xi32, #tpu.memory_space<hbm>>, %arg5: memref<320000xi32, #tpu.memory_space<hbm>>, %arg6: memref<320000xf32, #tpu.memory_space<hbm>>, %arg7: memref<10240xf32, #tpu.memory_space<vmem>>, %arg8: memref<10240xf32, #tpu.memory_space<vmem>>, %arg9: memref<10000xi32, #tpu.memory_space<vmem>>, %arg10: memref<10000xi32, #tpu.memory_space<vmem>>, %arg11: memref<10000xf32, #tpu.memory_space<vmem>>) attributes {dimension_semantics = [#tpu.dimension_semantics<core_parallel>, #tpu.dimension_semantics<subcore_parallel>], iteration_bounds = array<i64: 2, 16>, scalar_prefetch = 0 : i64, scratch_operands = 5 : i64, tpu.core_type = #tpu.core_type<sc_vector_subcore>, window_params = [{transform_indices = #map}, {transform_indices = #map}, {transform_indices = #map}, {transform_indices = #map}, {transform_indices = #map}]} {
    %mul3A = arith.constant 2 : i32
    %mul3A_0 = arith.muli %arg1, %mul3A : i32
    %add3A = arith.addi %mul3A_0, %arg0 : i32
    %mul3A_1 = arith.constant 10000 : i32
    %mul3A_2 = arith.muli %add3A, %mul3A_1 : i32
    "tpu.region"() ({
      %run_scoped3A = tpu.sem_alloc : memref<!tpu.dma_semaphore, #tpu.memory_space<semaphore_mem>>
      tpu.enqueue_dma source(%arg2 : memref<10240xf32, #tpu.memory_space<hbm>>) target(%arg7 : memref<10240xf32, #tpu.memory_space<vmem>>) target_semaphore(%run_scoped3A : memref<!tpu.dma_semaphore, #tpu.memory_space<semaphore_mem>>)
      tpu.wait_dma2 semaphore(%run_scoped3A : memref<!tpu.dma_semaphore, #tpu.memory_space<semaphore_mem>>) src(%arg2 : memref<10240xf32, #tpu.memory_space<hbm>>) dst(%arg7 : memref<10240xf32, #tpu.memory_space<vmem>>)
      tpu.yield
    }) : () -> ()
    "tpu.region"() ({
      %run_scoped3A = tpu.sem_alloc : memref<!tpu.dma_semaphore, #tpu.memory_space<semaphore_mem>>
      tpu.enqueue_dma source(%arg3 : memref<10240xf32, #tpu.memory_space<hbm>>) target(%arg8 : memref<10240xf32, #tpu.memory_space<vmem>>) target_semaphore(%run_scoped3A : memref<!tpu.dma_semaphore, #tpu.memory_space<semaphore_mem>>)
      tpu.wait_dma2 semaphore(%run_scoped3A : memref<!tpu.dma_semaphore, #tpu.memory_space<semaphore_mem>>) src(%arg3 : memref<10240xf32, #tpu.memory_space<hbm>>) dst(%arg8 : memref<10240xf32, #tpu.memory_space<vmem>>)
      tpu.yield
    }) : () -> ()
    "tpu.region"() ({
      %run_scoped3A = tpu.sem_alloc : memref<!tpu.dma_semaphore, #tpu.memory_space<semaphore_mem>>
      %dma_start3A = tpu.memref_slice %arg4[%mul3A_2] : memref<320000xi32, #tpu.memory_space<hbm>> -> memref<10000xi32, #tpu.memory_space<hbm>>
      %dma_start3A_9 = tpu.memref_slice %arg4[%mul3A_2] : memref<320000xi32, #tpu.memory_space<hbm>> -> memref<10000xi32, #tpu.memory_space<hbm>>
      tpu.enqueue_dma source(%dma_start3A_9 : memref<10000xi32, #tpu.memory_space<hbm>>) target(%arg9 : memref<10000xi32, #tpu.memory_space<vmem>>) target_semaphore(%run_scoped3A : memref<!tpu.dma_semaphore, #tpu.memory_space<semaphore_mem>>)
      %dma_wait3A = tpu.memref_slice %arg4[%mul3A_2] : memref<320000xi32, #tpu.memory_space<hbm>> -> memref<10000xi32, #tpu.memory_space<hbm>>
      %dma_wait3A_10 = tpu.memref_slice %arg4[%mul3A_2] : memref<320000xi32, #tpu.memory_space<hbm>> -> memref<10000xi32, #tpu.memory_space<hbm>>
      tpu.wait_dma2 semaphore(%run_scoped3A : memref<!tpu.dma_semaphore, #tpu.memory_space<semaphore_mem>>) src(%dma_wait3A_10 : memref<10000xi32, #tpu.memory_space<hbm>>) dst(%arg9 : memref<10000xi32, #tpu.memory_space<vmem>>)
      tpu.yield
    }) : () -> ()
    "tpu.region"() ({
      %run_scoped3A = tpu.sem_alloc : memref<!tpu.dma_semaphore, #tpu.memory_space<semaphore_mem>>
      %dma_start3A = tpu.memref_slice %arg5[%mul3A_2] : memref<320000xi32, #tpu.memory_space<hbm>> -> memref<10000xi32, #tpu.memory_space<hbm>>
      %dma_start3A_9 = tpu.memref_slice %arg5[%mul3A_2] : memref<320000xi32, #tpu.memory_space<hbm>> -> memref<10000xi32, #tpu.memory_space<hbm>>
      tpu.enqueue_dma source(%dma_start3A_9 : memref<10000xi32, #tpu.memory_space<hbm>>) target(%arg10 : memref<10000xi32, #tpu.memory_space<vmem>>) target_semaphore(%run_scoped3A : memref<!tpu.dma_semaphore, #tpu.memory_space<semaphore_mem>>)
      %dma_wait3A = tpu.memref_slice %arg5[%mul3A_2] : memref<320000xi32, #tpu.memory_space<hbm>> -> memref<10000xi32, #tpu.memory_space<hbm>>
      %dma_wait3A_10 = tpu.memref_slice %arg5[%mul3A_2] : memref<320000xi32, #tpu.memory_space<hbm>> -> memref<10000xi32, #tpu.memory_space<hbm>>
      tpu.wait_dma2 semaphore(%run_scoped3A : memref<!tpu.dma_semaphore, #tpu.memory_space<semaphore_mem>>) src(%dma_wait3A_10 : memref<10000xi32, #tpu.memory_space<hbm>>) dst(%arg10 : memref<10000xi32, #tpu.memory_space<vmem>>)
      tpu.yield
    }) : () -> ()
    %scan3A = arith.constant 0 : i32
    %scan3A_3 = arith.constant 0 : i32
    %scan3A_4 = arith.constant 625 : i32
    %scan3A_5 = arith.addi %scan3A_3, %scan3A_4 : i32
    %scan3A_6 = arith.constant 1 : i32
    %scan3A_7 = scf.for %scan3A_9 = %scan3A_3 to %scan3A_5 step %scan3A_6 iter_args(%scan3A_10 = %scan3A) -> (i32)  : i32 {
      %mul3A_11 = arith.constant 16 : i32
      %mul3A_12 = arith.muli %scan3A_9, %mul3A_11 : i32
      %get3A = arith.index_cast %mul3A_12 : i32 to index
      %get3A_13 = tpu.vector_load %arg9[%get3A] {strides = array<i32>} : memref<10000xi32, #tpu.memory_space<vmem>>, vector<16xi32>,
      %mul3A_14 = arith.constant 16 : i32
      %mul3A_15 = arith.muli %scan3A_9, %mul3A_14 : i32
      %get3A_16 = arith.index_cast %mul3A_15 : i32 to index
      %get3A_17 = tpu.vector_load %arg10[%get3A_16] {strides = array<i32>} : memref<10000xi32, #tpu.memory_space<vmem>>, vector<16xi32>,
      %gather3A = tpu.vector_load_idx %arg7[%get3A_13] : memref<10240xf32, #tpu.memory_space<vmem>>[vector<16xi32>], vector<16xf32>,
      %gather3A_18 = tpu.vector_load_idx %arg8[%get3A_17] : memref<10240xf32, #tpu.memory_space<vmem>>[vector<16xi32>], vector<16xf32>,
      %add3A_19 = arith.addf %gather3A, %gather3A_18 : vector<16xf32>
      %mul3A_20 = arith.constant 16 : i32
      %mul3A_21 = arith.muli %scan3A_9, %mul3A_20 : i32
      %swap3A = arith.index_cast %mul3A_21 : i32 to index
      %swap3A_22 = tpu.vector_load %arg11[%swap3A] {strides = array<i32>} : memref<10000xf32, #tpu.memory_space<vmem>>, vector<16xf32>,
      tpu.vector_store %arg11[%swap3A], %add3A_19 {strides = array<i32>} : memref<10000xf32, #tpu.memory_space<vmem>>, vector<16xf32>,
      %scan3A_23 = arith.constant 0 : i32
      scf.yield %scan3A_23 : i32
    }
    %scan3A_8 = arith.constant 625 : i32
    "tpu.region"() ({
      %run_scoped3A = tpu.sem_alloc : memref<!tpu.dma_semaphore, #tpu.memory_space<semaphore_mem>>
      %dma_start3A = tpu.memref_slice %arg6[%mul3A_2] : memref<320000xf32, #tpu.memory_space<hbm>> -> memref<10000xf32, #tpu.memory_space<hbm>>
      %dma_start3A_9 = tpu.memref_slice %arg6[%mul3A_2] : memref<320000xf32, #tpu.memory_space<hbm>> -> memref<10000xf32, #tpu.memory_space<hbm>>
      tpu.enqueue_dma source(%arg11 : memref<10000xf32, #tpu.memory_space<vmem>>) target(%dma_start3A_9 : memref<10000xf32, #tpu.memory_space<hbm>>) target_semaphore(%run_scoped3A : memref<!tpu.dma_semaphore, #tpu.memory_space<semaphore_mem>>)
      %dma_wait3A = tpu.memref_slice %arg6[%mul3A_2] : memref<320000xf32, #tpu.memory_space<hbm>> -> memref<10000xf32, #tpu.memory_space<hbm>>
      %dma_wait3A_10 = tpu.memref_slice %arg6[%mul3A_2] : memref<320000xf32, #tpu.memory_space<hbm>> -> memref<10000xf32, #tpu.memory_space<hbm>>
      tpu.wait_dma2 semaphore(%run_scoped3A : memref<!tpu.dma_semaphore, #tpu.memory_space<semaphore_mem>>) src(%arg11 : memref<10000xf32, #tpu.memory_space<vmem>>) dst(%dma_wait3A_10 : memref<10000xf32, #tpu.memory_space<hbm>>)
      tpu.yield
    }) : () -> ()
    return
  }
}

#map = affine_map<(d0, d1) -> (0, 0)>
#map1 = affine_map<(d0, d1) -> (0, 0, 0)>
module attributes {stable_mosaic.version = 14 : i64} {
  func.func @agg(%arg0: i32, %arg1: i32, %arg2: memref<81920x128xf32, #tpu.memory_space<hbm>>, %arg3: memref<2x2560x128xi32, #tpu.memory_space<hbm>>, %arg4: memref<2560x128xi32, #tpu.memory_space<hbm>>, %arg5: memref<2x10240x128xf32, #tpu.memory_space<hbm>>, %arg6: memref<16x128xi32, #tpu.memory_space<vmem>>, %arg7: memref<16x128xi32, #tpu.memory_space<vmem>>, %arg8: memref<128x128xf32, #tpu.memory_space<vmem>>, %arg9: memref<10240x128xf32, #tpu.memory_space<vmem_shared>>, %arg10: memref<!tpu.dma_semaphore, #tpu.memory_space<semaphore_mem>>) attributes {dimension_semantics = [#tpu.dimension_semantics<core_parallel>, #tpu.dimension_semantics<subcore_parallel>], iteration_bounds = array<i64: 2, 16>, scalar_prefetch = 0 : i64, scratch_operands = 5 : i64, tpu.core_type = #tpu.core_type<sc_vector_subcore>, window_params = [{transform_indices = #map}, {transform_indices = #map1}, {transform_indices = #map}, {transform_indices = #map1}]} {
    %mul3A = arith.constant 1280 : i32
    %mul3A_0 = arith.muli %arg0, %mul3A : i32
    %mul3A_1 = arith.constant 80 : i32
    %mul3A_2 = arith.muli %arg1, %mul3A_1 : i32
    %add3A = arith.addi %mul3A_0, %mul3A_2 : i32
    %broadcast_in_dim3A = arith.constant 0.000000e+00 : f32
    %broadcast_in_dim3A_3 = vector.broadcast %broadcast_in_dim3A : f32 to vector<16xf32>
    %scan3A = arith.constant 0 : i32
    %scan3A_4 = arith.constant 0 : i32
    %scan3A_5 = arith.constant 128 : i32
    %scan3A_6 = arith.addi %scan3A_4, %scan3A_5 : i32
    %scan3A_7 = arith.constant 1 : i32
    %scan3A_8 = scf.for %scan3A_34 = %scan3A_4 to %scan3A_6 step %scan3A_7 iter_args(%scan3A_35 = %scan3A) -> (i32)  : i32 {
      %swap3A = arith.index_cast %scan3A_34 : i32 to index
      %swap3A_36 = arith.constant 0 : index
      %swap3A_37 = tpu.vector_load %arg8[%swap3A, %swap3A_36] {strides = array<i32>} : memref<128x128xf32, #tpu.memory_space<vmem>>, vector<1x16xf32>,
      %swap3A_38 = vector.shape_cast %swap3A_37 : vector<1x16xf32> to vector<16xf32>
      %swap3A_39 = vector.shape_cast %broadcast_in_dim3A_3 : vector<16xf32> to vector<1x16xf32>
      tpu.vector_store %arg8[%swap3A, %swap3A_36], %swap3A_39 {strides = array<i32>} : memref<128x128xf32, #tpu.memory_space<vmem>>, vector<1x16xf32>,
      %swap3A_40 = arith.index_cast %scan3A_34 : i32 to index
      %swap3A_41 = arith.constant 16 : index
      %swap3A_42 = tpu.vector_load %arg8[%swap3A_40, %swap3A_41] {strides = array<i32>} : memref<128x128xf32, #tpu.memory_space<vmem>>, vector<1x16xf32>,
      %swap3A_43 = vector.shape_cast %swap3A_42 : vector<1x16xf32> to vector<16xf32>
      %swap3A_44 = vector.shape_cast %broadcast_in_dim3A_3 : vector<16xf32> to vector<1x16xf32>
      tpu.vector_store %arg8[%swap3A_40, %swap3A_41], %swap3A_44 {strides = array<i32>} : memref<128x128xf32, #tpu.memory_space<vmem>>, vector<1x16xf32>,
      %swap3A_45 = arith.index_cast %scan3A_34 : i32 to index
      %swap3A_46 = arith.constant 32 : index
      %swap3A_47 = tpu.vector_load %arg8[%swap3A_45, %swap3A_46] {strides = array<i32>} : memref<128x128xf32, #tpu.memory_space<vmem>>, vector<1x16xf32>,
      %swap3A_48 = vector.shape_cast %swap3A_47 : vector<1x16xf32> to vector<16xf32>
      %swap3A_49 = vector.shape_cast %broadcast_in_dim3A_3 : vector<16xf32> to vector<1x16xf32>
      tpu.vector_store %arg8[%swap3A_45, %swap3A_46], %swap3A_49 {strides = array<i32>} : memref<128x128xf32, #tpu.memory_space<vmem>>, vector<1x16xf32>,
      %swap3A_50 = arith.index_cast %scan3A_34 : i32 to index
      %swap3A_51 = arith.constant 48 : index
      %swap3A_52 = tpu.vector_load %arg8[%swap3A_50, %swap3A_51] {strides = array<i32>} : memref<128x128xf32, #tpu.memory_space<vmem>>, vector<1x16xf32>,
      %swap3A_53 = vector.shape_cast %swap3A_52 : vector<1x16xf32> to vector<16xf32>
      %swap3A_54 = vector.shape_cast %broadcast_in_dim3A_3 : vector<16xf32> to vector<1x16xf32>
      tpu.vector_store %arg8[%swap3A_50, %swap3A_51], %swap3A_54 {strides = array<i32>} : memref<128x128xf32, #tpu.memory_space<vmem>>, vector<1x16xf32>,
      %swap3A_55 = arith.index_cast %scan3A_34 : i32 to index
      %swap3A_56 = arith.constant 64 : index
      %swap3A_57 = tpu.vector_load %arg8[%swap3A_55, %swap3A_56] {strides = array<i32>} : memref<128x128xf32, #tpu.memory_space<vmem>>, vector<1x16xf32>,
      %swap3A_58 = vector.shape_cast %swap3A_57 : vector<1x16xf32> to vector<16xf32>
      %swap3A_59 = vector.shape_cast %broadcast_in_dim3A_3 : vector<16xf32> to vector<1x16xf32>
      tpu.vector_store %arg8[%swap3A_55, %swap3A_56], %swap3A_59 {strides = array<i32>} : memref<128x128xf32, #tpu.memory_space<vmem>>, vector<1x16xf32>,
      %swap3A_60 = arith.index_cast %scan3A_34 : i32 to index
      %swap3A_61 = arith.constant 80 : index
      %swap3A_62 = tpu.vector_load %arg8[%swap3A_60, %swap3A_61] {strides = array<i32>} : memref<128x128xf32, #tpu.memory_space<vmem>>, vector<1x16xf32>,
      %swap3A_63 = vector.shape_cast %swap3A_62 : vector<1x16xf32> to vector<16xf32>
      %swap3A_64 = vector.shape_cast %broadcast_in_dim3A_3 : vector<16xf32> to vector<1x16xf32>
      tpu.vector_store %arg8[%swap3A_60, %swap3A_61], %swap3A_64 {strides = array<i32>} : memref<128x128xf32, #tpu.memory_space<vmem>>, vector<1x16xf32>,
      %swap3A_65 = arith.index_cast %scan3A_34 : i32 to index
      %swap3A_66 = arith.constant 96 : index
      %swap3A_67 = tpu.vector_load %arg8[%swap3A_65, %swap3A_66] {strides = array<i32>} : memref<128x128xf32, #tpu.memory_space<vmem>>, vector<1x16xf32>,
      %swap3A_68 = vector.shape_cast %swap3A_67 : vector<1x16xf32> to vector<16xf32>
      %swap3A_69 = vector.shape_cast %broadcast_in_dim3A_3 : vector<16xf32> to vector<1x16xf32>
      tpu.vector_store %arg8[%swap3A_65, %swap3A_66], %swap3A_69 {strides = array<i32>} : memref<128x128xf32, #tpu.memory_space<vmem>>, vector<1x16xf32>,
      %swap3A_70 = arith.index_cast %scan3A_34 : i32 to index
      %swap3A_71 = arith.constant 112 : index
      %swap3A_72 = tpu.vector_load %arg8[%swap3A_70, %swap3A_71] {strides = array<i32>} : memref<128x128xf32, #tpu.memory_space<vmem>>, vector<1x16xf32>,
      %swap3A_73 = vector.shape_cast %swap3A_72 : vector<1x16xf32> to vector<16xf32>
      %swap3A_74 = vector.shape_cast %broadcast_in_dim3A_3 : vector<16xf32> to vector<1x16xf32>
      tpu.vector_store %arg8[%swap3A_70, %swap3A_71], %swap3A_74 {strides = array<i32>} : memref<128x128xf32, #tpu.memory_space<vmem>>, vector<1x16xf32>,
      %scan3A_75 = arith.constant 0 : i32
      scf.yield %scan3A_75 : i32
    }
    %scan3A_9 = arith.constant 128 : i32
    %mul3A_10 = arith.constant 640 : i32
    %mul3A_11 = arith.muli %arg1, %mul3A_10 : i32
    %scan3A_12 = arith.constant 0 : i32
    %scan3A_13 = arith.constant 0 : i32
    %scan3A_14 = arith.constant 5 : i32
    %scan3A_15 = arith.addi %scan3A_13, %scan3A_14 : i32
    %scan3A_16 = arith.constant 1 : i32
    %scan3A_17 = scf.for %scan3A_34 = %scan3A_13 to %scan3A_15 step %scan3A_16 iter_args(%scan3A_35 = %scan3A_12) -> (i32)  : i32 {
      %mul3A_36 = arith.constant 128 : i32
      %mul3A_37 = arith.muli %scan3A_34, %mul3A_36 : i32
      %add3A_38 = arith.addi %mul3A_11, %mul3A_37 : i32
      "tpu.region"() ({
        %run_scoped3A = tpu.sem_alloc : memref<!tpu.dma_semaphore, #tpu.memory_space<semaphore_mem>>
        %dma_start3A = arith.constant 0 : i32
        %dma_start3A_40 = tpu.memref_slice %arg9[%add3A_38, %dma_start3A] : memref<10240x128xf32, #tpu.memory_space<vmem_shared>> -> memref<128x128xf32, #tpu.memory_space<vmem_shared>>
        %dma_start3A_41 = arith.constant 0 : i32
        %dma_start3A_42 = tpu.memref_slice %arg9[%add3A_38, %dma_start3A_41] : memref<10240x128xf32, #tpu.memory_space<vmem_shared>> -> memref<128x128xf32, #tpu.memory_space<vmem_shared>>
        tpu.enqueue_dma source(%arg8 : memref<128x128xf32, #tpu.memory_space<vmem>>) target(%dma_start3A_42 : memref<128x128xf32, #tpu.memory_space<vmem_shared>>) target_semaphore(%run_scoped3A : memref<!tpu.dma_semaphore, #tpu.memory_space<semaphore_mem>>)
        %dma_wait3A = arith.constant 0 : i32
        %dma_wait3A_43 = tpu.memref_slice %arg9[%add3A_38, %dma_wait3A] : memref<10240x128xf32, #tpu.memory_space<vmem_shared>> -> memref<128x128xf32, #tpu.memory_space<vmem_shared>>
        %dma_wait3A_44 = arith.constant 0 : i32
        %dma_wait3A_45 = tpu.memref_slice %arg9[%add3A_38, %dma_wait3A_44] : memref<10240x128xf32, #tpu.memory_space<vmem_shared>> -> memref<128x128xf32, #tpu.memory_space<vmem_shared>>
        tpu.wait_dma2 semaphore(%run_scoped3A : memref<!tpu.dma_semaphore, #tpu.memory_space<semaphore_mem>>) src(%arg8 : memref<128x128xf32, #tpu.memory_space<vmem>>) dst(%dma_wait3A_45 : memref<128x128xf32, #tpu.memory_space<vmem_shared>>)
        tpu.yield
      }) : () -> ()
      %scan3A_39 = arith.constant 0 : i32
      scf.yield %scan3A_39 : i32
    }
    %scan3A_18 = arith.constant 5 : i32
    %barrier3A = arith.constant 0 : index
    tpu.barrier barrier_id(%barrier3A)
    %scan3A_19 = arith.constant 0 : i32
    %scan3A_20 = arith.constant 0 : i32
    %scan3A_21 = arith.constant 5 : i32
    %scan3A_22 = arith.addi %scan3A_20, %scan3A_21 : i32
    %scan3A_23 = arith.constant 1 : i32
    %scan3A_24 = scf.for %scan3A_34 = %scan3A_20 to %scan3A_22 step %scan3A_23 iter_args(%scan3A_35 = %scan3A_19) -> (i32)  : i32 {
      %mul3A_36 = arith.constant 16 : i32
      %mul3A_37 = arith.muli %scan3A_34, %mul3A_36 : i32
      %add3A_38 = arith.addi %add3A, %mul3A_37 : i32
      %run_scoped3A = arith.constant 0 : i32
      "tpu.region"() ({
        %run_scoped3A_47 = tpu.sem_alloc : memref<!tpu.dma_semaphore, #tpu.memory_space<semaphore_mem>>
        %dma_start3A = arith.constant 0 : i32
        %dma_start3A_48 = tpu.memref_slice %arg3[%run_scoped3A, %add3A_38, %dma_start3A] : memref<2x2560x128xi32, #tpu.memory_space<hbm>> -> memref<1x16x128xi32, #tpu.memory_space<hbm>>
        %dma_start3A_49 = tpu.memref_squeeze %dma_start3A_48 : memref<1x16x128xi32, #tpu.memory_space<hbm>> -> memref<16x128xi32, #tpu.memory_space<hbm>>
        %dma_start3A_50 = arith.constant 0 : i32
        %dma_start3A_51 = tpu.memref_slice %arg3[%run_scoped3A, %add3A_38, %dma_start3A_50] : memref<2x2560x128xi32, #tpu.memory_space<hbm>> -> memref<1x16x128xi32, #tpu.memory_space<hbm>>
        %dma_start3A_52 = tpu.memref_squeeze %dma_start3A_51 : memref<1x16x128xi32, #tpu.memory_space<hbm>> -> memref<16x128xi32, #tpu.memory_space<hbm>>
        tpu.enqueue_dma source(%dma_start3A_52 : memref<16x128xi32, #tpu.memory_space<hbm>>) target(%arg6 : memref<16x128xi32, #tpu.memory_space<vmem>>) target_semaphore(%run_scoped3A_47 : memref<!tpu.dma_semaphore, #tpu.memory_space<semaphore_mem>>)
        %dma_wait3A = arith.constant 0 : i32
        %dma_wait3A_53 = tpu.memref_slice %arg3[%run_scoped3A, %add3A_38, %dma_wait3A] : memref<2x2560x128xi32, #tpu.memory_space<hbm>> -> memref<1x16x128xi32, #tpu.memory_space<hbm>>
        %dma_wait3A_54 = tpu.memref_squeeze %dma_wait3A_53 : memref<1x16x128xi32, #tpu.memory_space<hbm>> -> memref<16x128xi32, #tpu.memory_space<hbm>>
        %dma_wait3A_55 = arith.constant 0 : i32
        %dma_wait3A_56 = tpu.memref_slice %arg3[%run_scoped3A, %add3A_38, %dma_wait3A_55] : memref<2x2560x128xi32, #tpu.memory_space<hbm>> -> memref<1x16x128xi32, #tpu.memory_space<hbm>>
        %dma_wait3A_57 = tpu.memref_squeeze %dma_wait3A_56 : memref<1x16x128xi32, #tpu.memory_space<hbm>> -> memref<16x128xi32, #tpu.memory_space<hbm>>
        tpu.wait_dma2 semaphore(%run_scoped3A_47 : memref<!tpu.dma_semaphore, #tpu.memory_space<semaphore_mem>>) src(%dma_wait3A_57 : memref<16x128xi32, #tpu.memory_space<hbm>>) dst(%arg6 : memref<16x128xi32, #tpu.memory_space<vmem>>)
        tpu.yield
      }) : () -> ()
      "tpu.region"() ({
        %run_scoped3A_47 = tpu.sem_alloc : memref<!tpu.dma_semaphore, #tpu.memory_space<semaphore_mem>>
        %dma_start3A = arith.constant 0 : i32
        %dma_start3A_48 = tpu.memref_slice %arg4[%add3A_38, %dma_start3A] : memref<2560x128xi32, #tpu.memory_space<hbm>> -> memref<16x128xi32, #tpu.memory_space<hbm>>
        %dma_start3A_49 = arith.constant 0 : i32
        %dma_start3A_50 = tpu.memref_slice %arg4[%add3A_38, %dma_start3A_49] : memref<2560x128xi32, #tpu.memory_space<hbm>> -> memref<16x128xi32, #tpu.memory_space<hbm>>
        tpu.enqueue_dma source(%dma_start3A_50 : memref<16x128xi32, #tpu.memory_space<hbm>>) target(%arg7 : memref<16x128xi32, #tpu.memory_space<vmem>>) target_semaphore(%run_scoped3A_47 : memref<!tpu.dma_semaphore, #tpu.memory_space<semaphore_mem>>)
        %dma_wait3A = arith.constant 0 : i32
        %dma_wait3A_51 = tpu.memref_slice %arg4[%add3A_38, %dma_wait3A] : memref<2560x128xi32, #tpu.memory_space<hbm>> -> memref<16x128xi32, #tpu.memory_space<hbm>>
        %dma_wait3A_52 = arith.constant 0 : i32
        %dma_wait3A_53 = tpu.memref_slice %arg4[%add3A_38, %dma_wait3A_52] : memref<2560x128xi32, #tpu.memory_space<hbm>> -> memref<16x128xi32, #tpu.memory_space<hbm>>
        tpu.wait_dma2 semaphore(%run_scoped3A_47 : memref<!tpu.dma_semaphore, #tpu.memory_space<semaphore_mem>>) src(%dma_wait3A_53 : memref<16x128xi32, #tpu.memory_space<hbm>>) dst(%arg7 : memref<16x128xi32, #tpu.memory_space<vmem>>)
        tpu.yield
      }) : () -> ()
      %scan3A_39 = arith.constant 0 : i32
      %scan3A_40 = arith.constant 0 : i32
      %scan3A_41 = arith.constant 16 : i32
      %scan3A_42 = arith.addi %scan3A_40, %scan3A_41 : i32
      %scan3A_43 = arith.constant 1 : i32
      %scan3A_44 = scf.for %scan3A_47 = %scan3A_40 to %scan3A_42 step %scan3A_43 iter_args(%scan3A_48 = %scan3A_39) -> (i32)  : i32 {
        %dma_start3A = arith.constant 0 : i32
        %dma_start3A_49 = tpu.memref_slice %arg6[%scan3A_47, %dma_start3A] : memref<16x128xi32, #tpu.memory_space<vmem>> -> memref<1x128xi32, #tpu.memory_space<vmem>>
        %dma_start3A_50 = tpu.memref_squeeze %dma_start3A_49 : memref<1x128xi32, #tpu.memory_space<vmem>> -> memref<128xi32, #tpu.memory_space<vmem>>
        %dma_start3A_51 = arith.constant 0 : i32
        %dma_start3A_52 = arith.constant 0 : i32
        %dma_start3A_53 = tpu.memref_slice %arg2[%dma_start3A_51, %dma_start3A_52] : memref<81920x128xf32, #tpu.memory_space<hbm>> -> memref<81920x128xf32, #tpu.memory_space<hbm>>
        tpu.enqueue_indirect_dma source(%dma_start3A_53 : memref<81920x128xf32, #tpu.memory_space<hbm>>) target(%arg8 : memref<128x128xf32, #tpu.memory_space<vmem>>) offsets(%dma_start3A_50 : memref<128xi32, #tpu.memory_space<vmem>>) semaphore(%arg10 : memref<!tpu.dma_semaphore, #tpu.memory_space<semaphore_mem>>)
        %dma_wait3A = arith.constant 0 : i32
        %dma_wait3A_54 = tpu.memref_slice %arg6[%scan3A_47, %dma_wait3A] : memref<16x128xi32, #tpu.memory_space<vmem>> -> memref<1x128xi32, #tpu.memory_space<vmem>>
        %dma_wait3A_55 = tpu.memref_squeeze %dma_wait3A_54 : memref<1x128xi32, #tpu.memory_space<vmem>> -> memref<128xi32, #tpu.memory_space<vmem>>
        %dma_wait3A_56 = arith.constant 0 : i32
        %dma_wait3A_57 = arith.constant 0 : i32
        %dma_wait3A_58 = tpu.memref_slice %arg2[%dma_wait3A_56, %dma_wait3A_57] : memref<81920x128xf32, #tpu.memory_space<hbm>> -> memref<81920x128xf32, #tpu.memory_space<hbm>>
        tpu.wait_indirect_dma semaphore(%arg10 : memref<!tpu.dma_semaphore, #tpu.memory_space<semaphore_mem>>) src(%dma_wait3A_58 : memref<81920x128xf32, #tpu.memory_space<hbm>>) dst(%arg8 : memref<128x128xf32, #tpu.memory_space<vmem>>)
        "tpu.region"() ({
          %run_scoped3A_60 = tpu.sem_alloc : memref<!tpu.dma_semaphore, #tpu.memory_space<semaphore_mem>>
          %dma_start3A_61 = arith.constant 0 : i32
          %dma_start3A_62 = tpu.memref_slice %arg7[%scan3A_47, %dma_start3A_61] : memref<16x128xi32, #tpu.memory_space<vmem>> -> memref<1x128xi32, #tpu.memory_space<vmem>>
          %dma_start3A_63 = tpu.memref_squeeze %dma_start3A_62 : memref<1x128xi32, #tpu.memory_space<vmem>> -> memref<128xi32, #tpu.memory_space<vmem>>
          %dma_start3A_64 = arith.constant 0 : i32
          %dma_start3A_65 = arith.constant 0 : i32
          %dma_start3A_66 = tpu.memref_slice %arg9[%dma_start3A_64, %dma_start3A_65] : memref<10240x128xf32, #tpu.memory_space<vmem_shared>> -> memref<10240x128xf32, #tpu.memory_space<vmem_shared>>
          tpu.enqueue_indirect_dma source(%arg8 : memref<128x128xf32, #tpu.memory_space<vmem>>) target(%dma_start3A_66 : memref<10240x128xf32, #tpu.memory_space<vmem_shared>>) offsets(%dma_start3A_63 : memref<128xi32, #tpu.memory_space<vmem>>) semaphore(%run_scoped3A_60 : memref<!tpu.dma_semaphore, #tpu.memory_space<semaphore_mem>>) {add = true}
          %dma_wait3A_67 = arith.constant 0 : i32
          %dma_wait3A_68 = tpu.memref_slice %arg7[%scan3A_47, %dma_wait3A_67] : memref<16x128xi32, #tpu.memory_space<vmem>> -> memref<1x128xi32, #tpu.memory_space<vmem>>
          %dma_wait3A_69 = tpu.memref_squeeze %dma_wait3A_68 : memref<1x128xi32, #tpu.memory_space<vmem>> -> memref<128xi32, #tpu.memory_space<vmem>>
          %dma_wait3A_70 = arith.constant 0 : i32
          %dma_wait3A_71 = arith.constant 0 : i32
          %dma_wait3A_72 = tpu.memref_slice %arg9[%dma_wait3A_70, %dma_wait3A_71] : memref<10240x128xf32, #tpu.memory_space<vmem_shared>> -> memref<10240x128xf32, #tpu.memory_space<vmem_shared>>
          tpu.wait_indirect_dma semaphore(%run_scoped3A_60 : memref<!tpu.dma_semaphore, #tpu.memory_space<semaphore_mem>>) src(%arg8 : memref<128x128xf32, #tpu.memory_space<vmem>>) dst(%dma_wait3A_72 : memref<10240x128xf32, #tpu.memory_space<vmem_shared>>)
          tpu.yield
        }) : () -> ()
        %scan3A_59 = arith.constant 0 : i32
        scf.yield %scan3A_59 : i32
      }
      %scan3A_45 = arith.constant 16 : i32
      %scan3A_46 = arith.constant 0 : i32
      scf.yield %scan3A_46 : i32
    }
    %scan3A_25 = arith.constant 5 : i32
    %barrier3A_26 = arith.constant 0 : index
    tpu.barrier barrier_id(%barrier3A_26)
    %scan3A_27 = arith.constant 0 : i32
    %scan3A_28 = arith.constant 0 : i32
    %scan3A_29 = arith.constant 5 : i32
    %scan3A_30 = arith.addi %scan3A_28, %scan3A_29 : i32
    %scan3A_31 = arith.constant 1 : i32
    %scan3A_32 = scf.for %scan3A_34 = %scan3A_28 to %scan3A_30 step %scan3A_31 iter_args(%scan3A_35 = %scan3A_27) -> (i32)  : i32 {
      %mul3A_36 = arith.constant 128 : i32
      %mul3A_37 = arith.muli %scan3A_34, %mul3A_36 : i32
      %add3A_38 = arith.addi %mul3A_11, %mul3A_37 : i32
      %mul3A_39 = arith.constant 128 : i32
      %mul3A_40 = arith.muli %scan3A_34, %mul3A_39 : i32
      %add3A_41 = arith.addi %mul3A_11, %mul3A_40 : i32
      "tpu.region"() ({
        %run_scoped3A = tpu.sem_alloc : memref<!tpu.dma_semaphore, #tpu.memory_space<semaphore_mem>>
        %dma_start3A = arith.constant 0 : i32
        %dma_start3A_43 = tpu.memref_slice %arg5[%arg0, %add3A_41, %dma_start3A] : memref<2x10240x128xf32, #tpu.memory_space<hbm>> -> memref<1x128x128xf32, #tpu.memory_space<hbm>>
        %dma_start3A_44 = tpu.memref_squeeze %dma_start3A_43 : memref<1x128x128xf32, #tpu.memory_space<hbm>> -> memref<128x128xf32, #tpu.memory_space<hbm>>
        %dma_start3A_45 = arith.constant 0 : i32
        %dma_start3A_46 = tpu.memref_slice %arg9[%add3A_38, %dma_start3A_45] : memref<10240x128xf32, #tpu.memory_space<vmem_shared>> -> memref<128x128xf32, #tpu.memory_space<vmem_shared>>
        tpu.enqueue_dma source(%dma_start3A_46 : memref<128x128xf32, #tpu.memory_space<vmem_shared>>) target(%dma_start3A_44 : memref<128x128xf32, #tpu.memory_space<hbm>>) target_semaphore(%run_scoped3A : memref<!tpu.dma_semaphore, #tpu.memory_space<semaphore_mem>>)
        %dma_wait3A = arith.constant 0 : i32
        %dma_wait3A_47 = tpu.memref_slice %arg5[%arg0, %add3A_41, %dma_wait3A] : memref<2x10240x128xf32, #tpu.memory_space<hbm>> -> memref<1x128x128xf32, #tpu.memory_space<hbm>>
        %dma_wait3A_48 = tpu.memref_squeeze %dma_wait3A_47 : memref<1x128x128xf32, #tpu.memory_space<hbm>> -> memref<128x128xf32, #tpu.memory_space<hbm>>
        %dma_wait3A_49 = arith.constant 0 : i32
        %dma_wait3A_50 = tpu.memref_slice %arg9[%add3A_38, %dma_wait3A_49] : memref<10240x128xf32, #tpu.memory_space<vmem_shared>> -> memref<128x128xf32, #tpu.memory_space<vmem_shared>>
        tpu.wait_dma2 semaphore(%run_scoped3A : memref<!tpu.dma_semaphore, #tpu.memory_space<semaphore_mem>>) src(%dma_wait3A_50 : memref<128x128xf32, #tpu.memory_space<vmem_shared>>) dst(%dma_wait3A_48 : memref<128x128xf32, #tpu.memory_space<hbm>>)
        tpu.yield
      }) : () -> ()
      %scan3A_42 = arith.constant 0 : i32
      scf.yield %scan3A_42 : i32
    }
    %scan3A_33 = arith.constant 5 : i32
    return
  }
}

#map = affine_map<(d0, d1) -> (0, 0)>
#map1 = affine_map<(d0, d1) -> (0, 0, 0)>
module attributes {stable_mosaic.version = 14 : i64} {
  func.func @agg(%arg0: i32, %arg1: i32, %arg2: memref<163840x128xf32, #tpu.memory_space<hbm>>, %arg3: memref<2x2560x128xi32, #tpu.memory_space<hbm>>, %arg4: memref<2560x128xi32, #tpu.memory_space<hbm>>, %arg5: memref<10240x256xf32, #tpu.memory_space<hbm>>, %arg6: memref<16x128xi32, #tpu.memory_space<vmem>>, %arg7: memref<16x128xi32, #tpu.memory_space<vmem>>, %arg8: memref<128x128xf32, #tpu.memory_space<vmem>>, %arg9: memref<10240x128xf32, #tpu.memory_space<vmem_shared>>, %arg10: memref<!tpu.dma_semaphore, #tpu.memory_space<semaphore_mem>>) attributes {dimension_semantics = [#tpu.dimension_semantics<core_parallel>, #tpu.dimension_semantics<subcore_parallel>], iteration_bounds = array<i64: 2, 16>, scalar_prefetch = 0 : i64, scratch_operands = 5 : i64, tpu.core_type = #tpu.core_type<sc_vector_subcore>, window_params = [{transform_indices = #map}, {transform_indices = #map1}, {transform_indices = #map}, {transform_indices = #map}]} {
    %mul3A = arith.constant 160 : i32
    %mul3A_0 = arith.muli %arg1, %mul3A : i32
    %broadcast_in_dim3A = arith.constant 0.000000e+00 : f32
    %broadcast_in_dim3A_1 = vector.broadcast %broadcast_in_dim3A : f32 to vector<16xf32>
    %scan3A = arith.constant 0 : i32
    %scan3A_2 = arith.constant 0 : i32
    %scan3A_3 = arith.constant 128 : i32
    %scan3A_4 = arith.addi %scan3A_2, %scan3A_3 : i32
    %scan3A_5 = arith.constant 1 : i32
    %scan3A_6 = scf.for %scan3A_32 = %scan3A_2 to %scan3A_4 step %scan3A_5 iter_args(%scan3A_33 = %scan3A) -> (i32)  : i32 {
      %swap3A = arith.index_cast %scan3A_32 : i32 to index
      %swap3A_34 = arith.constant 0 : index
      %swap3A_35 = tpu.vector_load %arg8[%swap3A, %swap3A_34] {strides = array<i32>} : memref<128x128xf32, #tpu.memory_space<vmem>>, vector<1x16xf32>,
      %swap3A_36 = vector.shape_cast %swap3A_35 : vector<1x16xf32> to vector<16xf32>
      %swap3A_37 = vector.shape_cast %broadcast_in_dim3A_1 : vector<16xf32> to vector<1x16xf32>
      tpu.vector_store %arg8[%swap3A, %swap3A_34], %swap3A_37 {strides = array<i32>} : memref<128x128xf32, #tpu.memory_space<vmem>>, vector<1x16xf32>,
      %swap3A_38 = arith.index_cast %scan3A_32 : i32 to index
      %swap3A_39 = arith.constant 16 : index
      %swap3A_40 = tpu.vector_load %arg8[%swap3A_38, %swap3A_39] {strides = array<i32>} : memref<128x128xf32, #tpu.memory_space<vmem>>, vector<1x16xf32>,
      %swap3A_41 = vector.shape_cast %swap3A_40 : vector<1x16xf32> to vector<16xf32>
      %swap3A_42 = vector.shape_cast %broadcast_in_dim3A_1 : vector<16xf32> to vector<1x16xf32>
      tpu.vector_store %arg8[%swap3A_38, %swap3A_39], %swap3A_42 {strides = array<i32>} : memref<128x128xf32, #tpu.memory_space<vmem>>, vector<1x16xf32>,
      %swap3A_43 = arith.index_cast %scan3A_32 : i32 to index
      %swap3A_44 = arith.constant 32 : index
      %swap3A_45 = tpu.vector_load %arg8[%swap3A_43, %swap3A_44] {strides = array<i32>} : memref<128x128xf32, #tpu.memory_space<vmem>>, vector<1x16xf32>,
      %swap3A_46 = vector.shape_cast %swap3A_45 : vector<1x16xf32> to vector<16xf32>
      %swap3A_47 = vector.shape_cast %broadcast_in_dim3A_1 : vector<16xf32> to vector<1x16xf32>
      tpu.vector_store %arg8[%swap3A_43, %swap3A_44], %swap3A_47 {strides = array<i32>} : memref<128x128xf32, #tpu.memory_space<vmem>>, vector<1x16xf32>,
      %swap3A_48 = arith.index_cast %scan3A_32 : i32 to index
      %swap3A_49 = arith.constant 48 : index
      %swap3A_50 = tpu.vector_load %arg8[%swap3A_48, %swap3A_49] {strides = array<i32>} : memref<128x128xf32, #tpu.memory_space<vmem>>, vector<1x16xf32>,
      %swap3A_51 = vector.shape_cast %swap3A_50 : vector<1x16xf32> to vector<16xf32>
      %swap3A_52 = vector.shape_cast %broadcast_in_dim3A_1 : vector<16xf32> to vector<1x16xf32>
      tpu.vector_store %arg8[%swap3A_48, %swap3A_49], %swap3A_52 {strides = array<i32>} : memref<128x128xf32, #tpu.memory_space<vmem>>, vector<1x16xf32>,
      %swap3A_53 = arith.index_cast %scan3A_32 : i32 to index
      %swap3A_54 = arith.constant 64 : index
      %swap3A_55 = tpu.vector_load %arg8[%swap3A_53, %swap3A_54] {strides = array<i32>} : memref<128x128xf32, #tpu.memory_space<vmem>>, vector<1x16xf32>,
      %swap3A_56 = vector.shape_cast %swap3A_55 : vector<1x16xf32> to vector<16xf32>
      %swap3A_57 = vector.shape_cast %broadcast_in_dim3A_1 : vector<16xf32> to vector<1x16xf32>
      tpu.vector_store %arg8[%swap3A_53, %swap3A_54], %swap3A_57 {strides = array<i32>} : memref<128x128xf32, #tpu.memory_space<vmem>>, vector<1x16xf32>,
      %swap3A_58 = arith.index_cast %scan3A_32 : i32 to index
      %swap3A_59 = arith.constant 80 : index
      %swap3A_60 = tpu.vector_load %arg8[%swap3A_58, %swap3A_59] {strides = array<i32>} : memref<128x128xf32, #tpu.memory_space<vmem>>, vector<1x16xf32>,
      %swap3A_61 = vector.shape_cast %swap3A_60 : vector<1x16xf32> to vector<16xf32>
      %swap3A_62 = vector.shape_cast %broadcast_in_dim3A_1 : vector<16xf32> to vector<1x16xf32>
      tpu.vector_store %arg8[%swap3A_58, %swap3A_59], %swap3A_62 {strides = array<i32>} : memref<128x128xf32, #tpu.memory_space<vmem>>, vector<1x16xf32>,
      %swap3A_63 = arith.index_cast %scan3A_32 : i32 to index
      %swap3A_64 = arith.constant 96 : index
      %swap3A_65 = tpu.vector_load %arg8[%swap3A_63, %swap3A_64] {strides = array<i32>} : memref<128x128xf32, #tpu.memory_space<vmem>>, vector<1x16xf32>,
      %swap3A_66 = vector.shape_cast %swap3A_65 : vector<1x16xf32> to vector<16xf32>
      %swap3A_67 = vector.shape_cast %broadcast_in_dim3A_1 : vector<16xf32> to vector<1x16xf32>
      tpu.vector_store %arg8[%swap3A_63, %swap3A_64], %swap3A_67 {strides = array<i32>} : memref<128x128xf32, #tpu.memory_space<vmem>>, vector<1x16xf32>,
      %swap3A_68 = arith.index_cast %scan3A_32 : i32 to index
      %swap3A_69 = arith.constant 112 : index
      %swap3A_70 = tpu.vector_load %arg8[%swap3A_68, %swap3A_69] {strides = array<i32>} : memref<128x128xf32, #tpu.memory_space<vmem>>, vector<1x16xf32>,
      %swap3A_71 = vector.shape_cast %swap3A_70 : vector<1x16xf32> to vector<16xf32>
      %swap3A_72 = vector.shape_cast %broadcast_in_dim3A_1 : vector<16xf32> to vector<1x16xf32>
      tpu.vector_store %arg8[%swap3A_68, %swap3A_69], %swap3A_72 {strides = array<i32>} : memref<128x128xf32, #tpu.memory_space<vmem>>, vector<1x16xf32>,
      %scan3A_73 = arith.constant 0 : i32
      scf.yield %scan3A_73 : i32
    }
    %scan3A_7 = arith.constant 128 : i32
    %mul3A_8 = arith.constant 640 : i32
    %mul3A_9 = arith.muli %arg1, %mul3A_8 : i32
    %scan3A_10 = arith.constant 0 : i32
    %scan3A_11 = arith.constant 0 : i32
    %scan3A_12 = arith.constant 5 : i32
    %scan3A_13 = arith.addi %scan3A_11, %scan3A_12 : i32
    %scan3A_14 = arith.constant 1 : i32
    %scan3A_15 = scf.for %scan3A_32 = %scan3A_11 to %scan3A_13 step %scan3A_14 iter_args(%scan3A_33 = %scan3A_10) -> (i32)  : i32 {
      %mul3A_34 = arith.constant 128 : i32
      %mul3A_35 = arith.muli %scan3A_32, %mul3A_34 : i32
      %add3A = arith.addi %mul3A_9, %mul3A_35 : i32
      "tpu.region"() ({
        %run_scoped3A = tpu.sem_alloc : memref<!tpu.dma_semaphore, #tpu.memory_space<semaphore_mem>>
        %dma_start3A = arith.constant 0 : i32
        %dma_start3A_37 = tpu.memref_slice %arg9[%add3A, %dma_start3A] : memref<10240x128xf32, #tpu.memory_space<vmem_shared>> -> memref<128x128xf32, #tpu.memory_space<vmem_shared>>
        %dma_start3A_38 = arith.constant 0 : i32
        %dma_start3A_39 = tpu.memref_slice %arg9[%add3A, %dma_start3A_38] : memref<10240x128xf32, #tpu.memory_space<vmem_shared>> -> memref<128x128xf32, #tpu.memory_space<vmem_shared>>
        tpu.enqueue_dma source(%arg8 : memref<128x128xf32, #tpu.memory_space<vmem>>) target(%dma_start3A_39 : memref<128x128xf32, #tpu.memory_space<vmem_shared>>) target_semaphore(%run_scoped3A : memref<!tpu.dma_semaphore, #tpu.memory_space<semaphore_mem>>)
        %dma_wait3A = arith.constant 0 : i32
        %dma_wait3A_40 = tpu.memref_slice %arg9[%add3A, %dma_wait3A] : memref<10240x128xf32, #tpu.memory_space<vmem_shared>> -> memref<128x128xf32, #tpu.memory_space<vmem_shared>>
        %dma_wait3A_41 = arith.constant 0 : i32
        %dma_wait3A_42 = tpu.memref_slice %arg9[%add3A, %dma_wait3A_41] : memref<10240x128xf32, #tpu.memory_space<vmem_shared>> -> memref<128x128xf32, #tpu.memory_space<vmem_shared>>
        tpu.wait_dma2 semaphore(%run_scoped3A : memref<!tpu.dma_semaphore, #tpu.memory_space<semaphore_mem>>) src(%arg8 : memref<128x128xf32, #tpu.memory_space<vmem>>) dst(%dma_wait3A_42 : memref<128x128xf32, #tpu.memory_space<vmem_shared>>)
        tpu.yield
      }) : () -> ()
      %scan3A_36 = arith.constant 0 : i32
      scf.yield %scan3A_36 : i32
    }
    %scan3A_16 = arith.constant 5 : i32
    %barrier3A = arith.constant 0 : index
    tpu.barrier barrier_id(%barrier3A)
    %scan3A_17 = arith.constant 0 : i32
    %scan3A_18 = arith.constant 0 : i32
    %scan3A_19 = arith.constant 10 : i32
    %scan3A_20 = arith.addi %scan3A_18, %scan3A_19 : i32
    %scan3A_21 = arith.constant 1 : i32
    %scan3A_22 = scf.for %scan3A_32 = %scan3A_18 to %scan3A_20 step %scan3A_21 iter_args(%scan3A_33 = %scan3A_17) -> (i32)  : i32 {
      %mul3A_34 = arith.constant 16 : i32
      %mul3A_35 = arith.muli %scan3A_32, %mul3A_34 : i32
      %add3A = arith.addi %mul3A_0, %mul3A_35 : i32
      "tpu.region"() ({
        %run_scoped3A = tpu.sem_alloc : memref<!tpu.dma_semaphore, #tpu.memory_space<semaphore_mem>>
        %dma_start3A = arith.constant 0 : i32
        %dma_start3A_44 = tpu.memref_slice %arg3[%arg0, %add3A, %dma_start3A] : memref<2x2560x128xi32, #tpu.memory_space<hbm>> -> memref<1x16x128xi32, #tpu.memory_space<hbm>>
        %dma_start3A_45 = tpu.memref_squeeze %dma_start3A_44 : memref<1x16x128xi32, #tpu.memory_space<hbm>> -> memref<16x128xi32, #tpu.memory_space<hbm>>
        %dma_start3A_46 = arith.constant 0 : i32
        %dma_start3A_47 = tpu.memref_slice %arg3[%arg0, %add3A, %dma_start3A_46] : memref<2x2560x128xi32, #tpu.memory_space<hbm>> -> memref<1x16x128xi32, #tpu.memory_space<hbm>>
        %dma_start3A_48 = tpu.memref_squeeze %dma_start3A_47 : memref<1x16x128xi32, #tpu.memory_space<hbm>> -> memref<16x128xi32, #tpu.memory_space<hbm>>
        tpu.enqueue_dma source(%dma_start3A_48 : memref<16x128xi32, #tpu.memory_space<hbm>>) target(%arg6 : memref<16x128xi32, #tpu.memory_space<vmem>>) target_semaphore(%run_scoped3A : memref<!tpu.dma_semaphore, #tpu.memory_space<semaphore_mem>>)
        %dma_wait3A = arith.constant 0 : i32
        %dma_wait3A_49 = tpu.memref_slice %arg3[%arg0, %add3A, %dma_wait3A] : memref<2x2560x128xi32, #tpu.memory_space<hbm>> -> memref<1x16x128xi32, #tpu.memory_space<hbm>>
        %dma_wait3A_50 = tpu.memref_squeeze %dma_wait3A_49 : memref<1x16x128xi32, #tpu.memory_space<hbm>> -> memref<16x128xi32, #tpu.memory_space<hbm>>
        %dma_wait3A_51 = arith.constant 0 : i32
        %dma_wait3A_52 = tpu.memref_slice %arg3[%arg0, %add3A, %dma_wait3A_51] : memref<2x2560x128xi32, #tpu.memory_space<hbm>> -> memref<1x16x128xi32, #tpu.memory_space<hbm>>
        %dma_wait3A_53 = tpu.memref_squeeze %dma_wait3A_52 : memref<1x16x128xi32, #tpu.memory_space<hbm>> -> memref<16x128xi32, #tpu.memory_space<hbm>>
        tpu.wait_dma2 semaphore(%run_scoped3A : memref<!tpu.dma_semaphore, #tpu.memory_space<semaphore_mem>>) src(%dma_wait3A_53 : memref<16x128xi32, #tpu.memory_space<hbm>>) dst(%arg6 : memref<16x128xi32, #tpu.memory_space<vmem>>)
        tpu.yield
      }) : () -> ()
      "tpu.region"() ({
        %run_scoped3A = tpu.sem_alloc : memref<!tpu.dma_semaphore, #tpu.memory_space<semaphore_mem>>
        %dma_start3A = arith.constant 0 : i32
        %dma_start3A_44 = tpu.memref_slice %arg4[%add3A, %dma_start3A] : memref<2560x128xi32, #tpu.memory_space<hbm>> -> memref<16x128xi32, #tpu.memory_space<hbm>>
        %dma_start3A_45 = arith.constant 0 : i32
        %dma_start3A_46 = tpu.memref_slice %arg4[%add3A, %dma_start3A_45] : memref<2560x128xi32, #tpu.memory_space<hbm>> -> memref<16x128xi32, #tpu.memory_space<hbm>>
        tpu.enqueue_dma source(%dma_start3A_46 : memref<16x128xi32, #tpu.memory_space<hbm>>) target(%arg7 : memref<16x128xi32, #tpu.memory_space<vmem>>) target_semaphore(%run_scoped3A : memref<!tpu.dma_semaphore, #tpu.memory_space<semaphore_mem>>)
        %dma_wait3A = arith.constant 0 : i32
        %dma_wait3A_47 = tpu.memref_slice %arg4[%add3A, %dma_wait3A] : memref<2560x128xi32, #tpu.memory_space<hbm>> -> memref<16x128xi32, #tpu.memory_space<hbm>>
        %dma_wait3A_48 = arith.constant 0 : i32
        %dma_wait3A_49 = tpu.memref_slice %arg4[%add3A, %dma_wait3A_48] : memref<2560x128xi32, #tpu.memory_space<hbm>> -> memref<16x128xi32, #tpu.memory_space<hbm>>
        tpu.wait_dma2 semaphore(%run_scoped3A : memref<!tpu.dma_semaphore, #tpu.memory_space<semaphore_mem>>) src(%dma_wait3A_49 : memref<16x128xi32, #tpu.memory_space<hbm>>) dst(%arg7 : memref<16x128xi32, #tpu.memory_space<vmem>>)
        tpu.yield
      }) : () -> ()
      %scan3A_36 = arith.constant 0 : i32
      %scan3A_37 = arith.constant 0 : i32
      %scan3A_38 = arith.constant 16 : i32
      %scan3A_39 = arith.addi %scan3A_37, %scan3A_38 : i32
      %scan3A_40 = arith.constant 1 : i32
      %scan3A_41 = scf.for %scan3A_44 = %scan3A_37 to %scan3A_39 step %scan3A_40 iter_args(%scan3A_45 = %scan3A_36) -> (i32)  : i32 {
        %dma_start3A = arith.constant 0 : i32
        %dma_start3A_46 = tpu.memref_slice %arg6[%scan3A_44, %dma_start3A] : memref<16x128xi32, #tpu.memory_space<vmem>> -> memref<1x128xi32, #tpu.memory_space<vmem>>
        %dma_start3A_47 = tpu.memref_squeeze %dma_start3A_46 : memref<1x128xi32, #tpu.memory_space<vmem>> -> memref<128xi32, #tpu.memory_space<vmem>>
        %dma_start3A_48 = arith.constant 0 : i32
        %dma_start3A_49 = arith.constant 0 : i32
        %dma_start3A_50 = tpu.memref_slice %arg2[%dma_start3A_48, %dma_start3A_49] : memref<163840x128xf32, #tpu.memory_space<hbm>> -> memref<163840x128xf32, #tpu.memory_space<hbm>>
        tpu.enqueue_indirect_dma source(%dma_start3A_50 : memref<163840x128xf32, #tpu.memory_space<hbm>>) target(%arg8 : memref<128x128xf32, #tpu.memory_space<vmem>>) offsets(%dma_start3A_47 : memref<128xi32, #tpu.memory_space<vmem>>) semaphore(%arg10 : memref<!tpu.dma_semaphore, #tpu.memory_space<semaphore_mem>>)
        %dma_wait3A = arith.constant 0 : i32
        %dma_wait3A_51 = tpu.memref_slice %arg6[%scan3A_44, %dma_wait3A] : memref<16x128xi32, #tpu.memory_space<vmem>> -> memref<1x128xi32, #tpu.memory_space<vmem>>
        %dma_wait3A_52 = tpu.memref_squeeze %dma_wait3A_51 : memref<1x128xi32, #tpu.memory_space<vmem>> -> memref<128xi32, #tpu.memory_space<vmem>>
        %dma_wait3A_53 = arith.constant 0 : i32
        %dma_wait3A_54 = arith.constant 0 : i32
        %dma_wait3A_55 = tpu.memref_slice %arg2[%dma_wait3A_53, %dma_wait3A_54] : memref<163840x128xf32, #tpu.memory_space<hbm>> -> memref<163840x128xf32, #tpu.memory_space<hbm>>
        tpu.wait_indirect_dma semaphore(%arg10 : memref<!tpu.dma_semaphore, #tpu.memory_space<semaphore_mem>>) src(%dma_wait3A_55 : memref<163840x128xf32, #tpu.memory_space<hbm>>) dst(%arg8 : memref<128x128xf32, #tpu.memory_space<vmem>>)
        "tpu.region"() ({
          %run_scoped3A = tpu.sem_alloc : memref<!tpu.dma_semaphore, #tpu.memory_space<semaphore_mem>>
          %dma_start3A_57 = arith.constant 0 : i32
          %dma_start3A_58 = tpu.memref_slice %arg7[%scan3A_44, %dma_start3A_57] : memref<16x128xi32, #tpu.memory_space<vmem>> -> memref<1x128xi32, #tpu.memory_space<vmem>>
          %dma_start3A_59 = tpu.memref_squeeze %dma_start3A_58 : memref<1x128xi32, #tpu.memory_space<vmem>> -> memref<128xi32, #tpu.memory_space<vmem>>
          %dma_start3A_60 = arith.constant 0 : i32
          %dma_start3A_61 = arith.constant 0 : i32
          %dma_start3A_62 = tpu.memref_slice %arg9[%dma_start3A_60, %dma_start3A_61] : memref<10240x128xf32, #tpu.memory_space<vmem_shared>> -> memref<10240x128xf32, #tpu.memory_space<vmem_shared>>
          tpu.enqueue_indirect_dma source(%arg8 : memref<128x128xf32, #tpu.memory_space<vmem>>) target(%dma_start3A_62 : memref<10240x128xf32, #tpu.memory_space<vmem_shared>>) offsets(%dma_start3A_59 : memref<128xi32, #tpu.memory_space<vmem>>) semaphore(%run_scoped3A : memref<!tpu.dma_semaphore, #tpu.memory_space<semaphore_mem>>) {add = true}
          %dma_wait3A_63 = arith.constant 0 : i32
          %dma_wait3A_64 = tpu.memref_slice %arg7[%scan3A_44, %dma_wait3A_63] : memref<16x128xi32, #tpu.memory_space<vmem>> -> memref<1x128xi32, #tpu.memory_space<vmem>>
          %dma_wait3A_65 = tpu.memref_squeeze %dma_wait3A_64 : memref<1x128xi32, #tpu.memory_space<vmem>> -> memref<128xi32, #tpu.memory_space<vmem>>
          %dma_wait3A_66 = arith.constant 0 : i32
          %dma_wait3A_67 = arith.constant 0 : i32
          %dma_wait3A_68 = tpu.memref_slice %arg9[%dma_wait3A_66, %dma_wait3A_67] : memref<10240x128xf32, #tpu.memory_space<vmem_shared>> -> memref<10240x128xf32, #tpu.memory_space<vmem_shared>>
          tpu.wait_indirect_dma semaphore(%run_scoped3A : memref<!tpu.dma_semaphore, #tpu.memory_space<semaphore_mem>>) src(%arg8 : memref<128x128xf32, #tpu.memory_space<vmem>>) dst(%dma_wait3A_68 : memref<10240x128xf32, #tpu.memory_space<vmem_shared>>)
          tpu.yield
        }) : () -> ()
        %scan3A_56 = arith.constant 0 : i32
        scf.yield %scan3A_56 : i32
      }
      %scan3A_42 = arith.constant 16 : i32
      %scan3A_43 = arith.constant 0 : i32
      scf.yield %scan3A_43 : i32
    }
    %scan3A_23 = arith.constant 10 : i32
    %barrier3A_24 = arith.constant 0 : index
    tpu.barrier barrier_id(%barrier3A_24)
    %scan3A_25 = arith.constant 0 : i32
    %scan3A_26 = arith.constant 0 : i32
    %scan3A_27 = arith.constant 5 : i32
    %scan3A_28 = arith.addi %scan3A_26, %scan3A_27 : i32
    %scan3A_29 = arith.constant 1 : i32
    %scan3A_30 = scf.for %scan3A_32 = %scan3A_26 to %scan3A_28 step %scan3A_29 iter_args(%scan3A_33 = %scan3A_25) -> (i32)  : i32 {
      %mul3A_34 = arith.constant 128 : i32
      %mul3A_35 = arith.muli %scan3A_32, %mul3A_34 : i32
      %add3A = arith.addi %mul3A_9, %mul3A_35 : i32
      %mul3A_36 = arith.constant 128 : i32
      %mul3A_37 = arith.muli %scan3A_32, %mul3A_36 : i32
      %add3A_38 = arith.addi %mul3A_9, %mul3A_37 : i32
      %mul3A_39 = arith.constant 128 : i32
      %mul3A_40 = arith.muli %arg0, %mul3A_39 : i32
      "tpu.region"() ({
        %run_scoped3A = tpu.sem_alloc : memref<!tpu.dma_semaphore, #tpu.memory_space<semaphore_mem>>
        %dma_start3A = tpu.memref_slice %arg5[%add3A_38, %mul3A_40] : memref<10240x256xf32, #tpu.memory_space<hbm>> -> memref<128x128xf32, #tpu.memory_space<hbm>>
        %dma_start3A_42 = arith.constant 0 : i32
        %dma_start3A_43 = tpu.memref_slice %arg9[%add3A, %dma_start3A_42] : memref<10240x128xf32, #tpu.memory_space<vmem_shared>> -> memref<128x128xf32, #tpu.memory_space<vmem_shared>>
        tpu.enqueue_dma source(%dma_start3A_43 : memref<128x128xf32, #tpu.memory_space<vmem_shared>>) target(%dma_start3A : memref<128x128xf32, #tpu.memory_space<hbm>>) target_semaphore(%run_scoped3A : memref<!tpu.dma_semaphore, #tpu.memory_space<semaphore_mem>>)
        %dma_wait3A = tpu.memref_slice %arg5[%add3A_38, %mul3A_40] : memref<10240x256xf32, #tpu.memory_space<hbm>> -> memref<128x128xf32, #tpu.memory_space<hbm>>
        %dma_wait3A_44 = arith.constant 0 : i32
        %dma_wait3A_45 = tpu.memref_slice %arg9[%add3A, %dma_wait3A_44] : memref<10240x128xf32, #tpu.memory_space<vmem_shared>> -> memref<128x128xf32, #tpu.memory_space<vmem_shared>>
        tpu.wait_dma2 semaphore(%run_scoped3A : memref<!tpu.dma_semaphore, #tpu.memory_space<semaphore_mem>>) src(%dma_wait3A_45 : memref<128x128xf32, #tpu.memory_space<vmem_shared>>) dst(%dma_wait3A : memref<128x128xf32, #tpu.memory_space<hbm>>)
        tpu.yield
      }) : () -> ()
      %scan3A_41 = arith.constant 0 : i32
      scf.yield %scan3A_41 : i32
    }
    %scan3A_31 = arith.constant 5 : i32
    return
  }
}

module attributes {stable_mosaic.version = 14 : i64} {
  func.func @body(%arg0: i32, %arg1: i32, %arg2: memref<1024x128xf32, #tpu.memory_space<vmem>>, %arg3: memref<1x128x1024xf32, #tpu.memory_space<vmem>>, %arg4: memref<1x128xf32, #tpu.memory_space<vmem>>, %arg5: memref<1x1024x8x128xf32, #tpu.memory_space<vmem>>) attributes {dimension_semantics = [#tpu.dimension_semantics<arbitrary>, #tpu.dimension_semantics<arbitrary>], iteration_bounds = array<i64: 2, 10>, scalar_prefetch = 0 : i64, scratch_operands = 0 : i64, tpu.core_type = #tpu.core_type<tc>, window_params = [{transform_indices = @transform_0, window_bounds = array<i64: 1024, 128>}, {transform_indices = @transform_1, window_bounds = array<i64: 1, 128, 1024>}, {transform_indices = @transform_2, window_bounds = array<i64: 1, 128>}, {transform_indices = @transform_3, window_bounds = array<i64: 1, 1024, 8, 128>}]} {
    %get3A = arith.constant 0 : index
    %get3A_0 = arith.constant 0 : index
    %get3A_1 = vector.load %arg2[%get3A, %get3A_0] : memref<1024x128xf32, #tpu.memory_space<vmem>>, vector<1024x128xf32>
    %get3A_2 = arith.constant 0 : index
    %get3A_3 = arith.constant 0 : index
    %get3A_4 = arith.constant 0 : index
    %get3A_5 = vector.load %arg3[%get3A_2, %get3A_3, %get3A_4] : memref<1x128x1024xf32, #tpu.memory_space<vmem>>, vector<1x128x1024xf32>
    %get3A_6 = vector.shape_cast %get3A_5 : vector<1x128x1024xf32> to vector<128x1024xf32>
    %dot_general3A = arith.constant dense<0.000000e+00> : vector<1024x1024xf32>
    %dot_general3A_7 = tpu.matmul %get3A_1, %get3A_6, %dot_general3A {dimension_numbers = #tpu.dot_dimension_numbers<[1], [0], [0], [1], [0, 0, 1, 1], [], []>, transpose_lhs_hint = false} : vector<1024x128xf32>, vector<128x1024xf32>, vector<1024x1024xf32> -> vector<1024x1024xf32>
    %reshape3A = vector.shape_cast %dot_general3A_7 : vector<1024x1024xf32> to vector<1x1024x8x128xf32>
    %swap3A = arith.constant 0 : index
    %swap3A_8 = arith.constant 0 : index
    %swap3A_9 = arith.constant 0 : index
    %swap3A_10 = arith.constant 0 : index
    %swap3A_11 = vector.load %arg5[%swap3A, %swap3A_8, %swap3A_9, %swap3A_10] : memref<1x1024x8x128xf32, #tpu.memory_space<vmem>>, vector<1x1024x8x128xf32>
    tpu.vector_store %arg5[%swap3A, %swap3A_8, %swap3A_9, %swap3A_10], %reshape3A {strides = array<i32>} : memref<1x1024x8x128xf32, #tpu.memory_space<vmem>>, vector<1x1024x8x128xf32>,
    return
  }
  func.func @transform_0(%arg0: i32, %arg1: i32) -> (i32, i32) {
    %c0_i32 = arith.constant 0 : i32
    %c0_i32_0 = arith.constant 0 : i32
    return %arg1, %c0_i32 : i32, i32
  }
  func.func @transform_1(%arg0: i32, %arg1: i32) -> (i32, i32, i32) {
    %c0_i32 = arith.constant 0 : i32
    %c0_i32_0 = arith.constant 0 : i32
    %c0_i32_1 = arith.constant 0 : i32
    return %arg0, %c0_i32, %c0_i32_0 : i32, i32, i32
  }
  func.func @transform_2(%arg0: i32, %arg1: i32) -> (i32, i32) {
    %c0_i32 = arith.constant 0 : i32
    %c0_i32_0 = arith.constant 0 : i32
    %c0_i32_1 = arith.constant 0 : i32
    return %c0_i32, %c0_i32_0 : i32, i32
  }
  func.func @transform_3(%arg0: i32, %arg1: i32) -> (i32, i32, i32, i32) {
    %c0_i32 = arith.constant 0 : i32
    %c0_i32_0 = arith.constant 0 : i32
    %c0_i32_1 = arith.constant 0 : i32
    return %arg0, %arg1, %c0_i32, %c0_i32_0 : i32, i32, i32, i32
  }
}

module attributes {stable_mosaic.version = 14 : i64} {
  func.func @body(%arg0: i32, %arg1: i32, %arg2: memref<1024x256xf32, #tpu.memory_space<vmem>>, %arg3: memref<1x256x1024xf32, #tpu.memory_space<vmem>>, %arg4: memref<1x256xf32, #tpu.memory_space<vmem>>, %arg5: memref<1x1024x8x128xf32, #tpu.memory_space<vmem>>) attributes {dimension_semantics = [#tpu.dimension_semantics<arbitrary>, #tpu.dimension_semantics<arbitrary>], iteration_bounds = array<i64: 2, 10>, scalar_prefetch = 0 : i64, scratch_operands = 0 : i64, tpu.core_type = #tpu.core_type<tc>, window_params = [{transform_indices = @transform_0, window_bounds = array<i64: 1024, 256>}, {transform_indices = @transform_1, window_bounds = array<i64: 1, 256, 1024>}, {pipeline_mode = #tpu.pipeline_mode<synchronous>, transform_indices = @transform_2, window_bounds = array<i64: 1, 256>}, {transform_indices = @transform_3, window_bounds = array<i64: 1, 1024, 8, 128>}]} {
    %get3A = arith.constant 0 : index
    %get3A_0 = arith.constant 0 : index
    %get3A_1 = vector.load %arg2[%get3A, %get3A_0] : memref<1024x256xf32, #tpu.memory_space<vmem>>, vector<1024x256xf32>
    %get3A_2 = arith.constant 0 : index
    %get3A_3 = arith.constant 0 : index
    %get3A_4 = vector.load %arg4[%get3A_2, %get3A_3] : memref<1x256xf32, #tpu.memory_space<vmem>>, vector<1x256xf32>
    %add3A = vector.broadcast %get3A_4 : vector<1x256xf32> to vector<1024x256xf32>
    %add3A_5 = arith.addf %get3A_1, %add3A : vector<1024x256xf32>
    %max3A = arith.constant 0.000000e+00 : f32
    %max3A_6 = vector.broadcast %max3A : f32 to vector<1024x256xf32>
    %max3A_7 = arith.maximumf %add3A_5, %max3A_6 : vector<1024x256xf32>
    %get3A_8 = arith.constant 0 : index
    %get3A_9 = arith.constant 0 : index
    %get3A_10 = arith.constant 0 : index
    %get3A_11 = vector.load %arg3[%get3A_8, %get3A_9, %get3A_10] : memref<1x256x1024xf32, #tpu.memory_space<vmem>>, vector<1x256x1024xf32>
    %get3A_12 = vector.shape_cast %get3A_11 : vector<1x256x1024xf32> to vector<256x1024xf32>
    %dot_general3A = arith.constant dense<0.000000e+00> : vector<1024x1024xf32>
    %dot_general3A_13 = tpu.matmul %max3A_7, %get3A_12, %dot_general3A {dimension_numbers = #tpu.dot_dimension_numbers<[1], [0], [0], [1], [0, 0, 1, 1], [], []>, transpose_lhs_hint = false} : vector<1024x256xf32>, vector<256x1024xf32>, vector<1024x1024xf32> -> vector<1024x1024xf32>
    %reshape3A = vector.shape_cast %dot_general3A_13 : vector<1024x1024xf32> to vector<1x1024x8x128xf32>
    %swap3A = arith.constant 0 : index
    %swap3A_14 = arith.constant 0 : index
    %swap3A_15 = arith.constant 0 : index
    %swap3A_16 = arith.constant 0 : index
    %swap3A_17 = vector.load %arg5[%swap3A, %swap3A_14, %swap3A_15, %swap3A_16] : memref<1x1024x8x128xf32, #tpu.memory_space<vmem>>, vector<1x1024x8x128xf32>
    tpu.vector_store %arg5[%swap3A, %swap3A_14, %swap3A_15, %swap3A_16], %reshape3A {strides = array<i32>} : memref<1x1024x8x128xf32, #tpu.memory_space<vmem>>, vector<1x1024x8x128xf32>,
    return
  }
  func.func @transform_0(%arg0: i32, %arg1: i32) -> (i32, i32) {
    %c0_i32 = arith.constant 0 : i32
    %c0_i32_0 = arith.constant 0 : i32
    return %arg1, %c0_i32 : i32, i32
  }
  func.func @transform_1(%arg0: i32, %arg1: i32) -> (i32, i32, i32) {
    %c0_i32 = arith.constant 0 : i32
    %c0_i32_0 = arith.constant 0 : i32
    %c0_i32_1 = arith.constant 0 : i32
    return %arg0, %c0_i32, %c0_i32_0 : i32, i32, i32
  }
  func.func @transform_2(%arg0: i32, %arg1: i32) -> (i32, i32) {
    %c0_i32 = arith.constant 0 : i32
    %c0_i32_0 = arith.constant 0 : i32
    %c0_i32_1 = arith.constant 0 : i32
    return %c0_i32, %c0_i32_0 : i32, i32
  }
  func.func @transform_3(%arg0: i32, %arg1: i32) -> (i32, i32, i32, i32) {
    %c0_i32 = arith.constant 0 : i32
    %c0_i32_0 = arith.constant 0 : i32
    %c0_i32_1 = arith.constant 0 : i32
    return %arg0, %arg1, %c0_i32, %c0_i32_0 : i32, i32, i32, i32
  }
}

module attributes {stable_mosaic.version = 14 : i64} {
  func.func @body(%arg0: i32, %arg1: i32, %arg2: memref<1024x256xf32, #tpu.memory_space<vmem>>, %arg3: memref<1x256x1024xf32, #tpu.memory_space<vmem>>, %arg4: memref<1x256xf32, #tpu.memory_space<vmem>>, %arg5: memref<1x1024x8x128xf32, #tpu.memory_space<vmem>>) attributes {dimension_semantics = [#tpu.dimension_semantics<arbitrary>, #tpu.dimension_semantics<arbitrary>], iteration_bounds = array<i64: 1, 10>, scalar_prefetch = 0 : i64, scratch_operands = 0 : i64, tpu.core_type = #tpu.core_type<tc>, window_params = [{transform_indices = @transform_0, window_bounds = array<i64: 1024, 256>}, {transform_indices = @transform_1, window_bounds = array<i64: 1, 256, 1024>}, {pipeline_mode = #tpu.pipeline_mode<synchronous>, transform_indices = @transform_2, window_bounds = array<i64: 1, 256>}, {transform_indices = @transform_3, window_bounds = array<i64: 1, 1024, 8, 128>}]} {
    %get3A = arith.constant 0 : index
    %get3A_0 = arith.constant 0 : index
    %get3A_1 = vector.load %arg2[%get3A, %get3A_0] : memref<1024x256xf32, #tpu.memory_space<vmem>>, vector<1024x256xf32>
    %get3A_2 = arith.constant 0 : index
    %get3A_3 = arith.constant 0 : index
    %get3A_4 = vector.load %arg4[%get3A_2, %get3A_3] : memref<1x256xf32, #tpu.memory_space<vmem>>, vector<1x256xf32>
    %add3A = vector.broadcast %get3A_4 : vector<1x256xf32> to vector<1024x256xf32>
    %add3A_5 = arith.addf %get3A_1, %add3A : vector<1024x256xf32>
    %max3A = arith.constant 0.000000e+00 : f32
    %max3A_6 = vector.broadcast %max3A : f32 to vector<1024x256xf32>
    %max3A_7 = arith.maximumf %add3A_5, %max3A_6 : vector<1024x256xf32>
    %get3A_8 = arith.constant 0 : index
    %get3A_9 = arith.constant 0 : index
    %get3A_10 = arith.constant 0 : index
    %get3A_11 = vector.load %arg3[%get3A_8, %get3A_9, %get3A_10] : memref<1x256x1024xf32, #tpu.memory_space<vmem>>, vector<1x256x1024xf32>
    %get3A_12 = vector.shape_cast %get3A_11 : vector<1x256x1024xf32> to vector<256x1024xf32>
    %dot_general3A = arith.constant dense<0.000000e+00> : vector<1024x1024xf32>
    %dot_general3A_13 = tpu.matmul %max3A_7, %get3A_12, %dot_general3A {dimension_numbers = #tpu.dot_dimension_numbers<[1], [0], [0], [1], [0, 0, 1, 1], [], []>, transpose_lhs_hint = false} : vector<1024x256xf32>, vector<256x1024xf32>, vector<1024x1024xf32> -> vector<1024x1024xf32>
    %reshape3A = vector.shape_cast %dot_general3A_13 : vector<1024x1024xf32> to vector<1x1024x8x128xf32>
    %swap3A = arith.constant 0 : index
    %swap3A_14 = arith.constant 0 : index
    %swap3A_15 = arith.constant 0 : index
    %swap3A_16 = arith.constant 0 : index
    %swap3A_17 = vector.load %arg5[%swap3A, %swap3A_14, %swap3A_15, %swap3A_16] : memref<1x1024x8x128xf32, #tpu.memory_space<vmem>>, vector<1x1024x8x128xf32>
    tpu.vector_store %arg5[%swap3A, %swap3A_14, %swap3A_15, %swap3A_16], %reshape3A {strides = array<i32>} : memref<1x1024x8x128xf32, #tpu.memory_space<vmem>>, vector<1x1024x8x128xf32>,
    return
  }
  func.func @transform_0(%arg0: i32, %arg1: i32) -> (i32, i32) {
    %c0_i32 = arith.constant 0 : i32
    %c0_i32_0 = arith.constant 0 : i32
    return %arg1, %c0_i32 : i32, i32
  }
  func.func @transform_1(%arg0: i32, %arg1: i32) -> (i32, i32, i32) {
    %c0_i32 = arith.constant 0 : i32
    %c0_i32_0 = arith.constant 0 : i32
    %c0_i32_1 = arith.constant 0 : i32
    return %arg0, %c0_i32, %c0_i32_0 : i32, i32, i32
  }
  func.func @transform_2(%arg0: i32, %arg1: i32) -> (i32, i32) {
    %c0_i32 = arith.constant 0 : i32
    %c0_i32_0 = arith.constant 0 : i32
    %c0_i32_1 = arith.constant 0 : i32
    return %c0_i32, %c0_i32_0 : i32, i32
  }
  func.func @transform_3(%arg0: i32, %arg1: i32) -> (i32, i32, i32, i32) {
    %c0_i32 = arith.constant 0 : i32
    %c0_i32_0 = arith.constant 0 : i32
    %c0_i32_1 = arith.constant 0 : i32
    return %arg0, %arg1, %c0_i32, %c0_i32_0 : i32, i32, i32, i32
  }
}

module attributes {stable_mosaic.version = 14 : i64} {
  func.func @body(%arg0: i32, %arg1: memref<2x1024x128xf32, #tpu.memory_space<vmem>>, %arg2: memref<1x128xf32, #tpu.memory_space<vmem>>, %arg3: memref<128x2xf32, #tpu.memory_space<vmem>>, %arg4: memref<1x2xf32, #tpu.memory_space<vmem>>, %arg5: memref<1024x2xf32, #tpu.memory_space<vmem>>) attributes {dimension_semantics = [#tpu.dimension_semantics<arbitrary>], iteration_bounds = array<i64: 10>, scalar_prefetch = 0 : i64, scratch_operands = 0 : i64, tpu.core_type = #tpu.core_type<tc>, window_params = [{transform_indices = @transform_0, window_bounds = array<i64: 2, 1024, 128>}, {pipeline_mode = #tpu.pipeline_mode<synchronous>, transform_indices = @transform_1, window_bounds = array<i64: 1, 128>}, {pipeline_mode = #tpu.pipeline_mode<synchronous>, transform_indices = @transform_2, window_bounds = array<i64: 128, 2>}, {pipeline_mode = #tpu.pipeline_mode<synchronous>, transform_indices = @transform_3, window_bounds = array<i64: 1, 2>}, {transform_indices = @transform_4, window_bounds = array<i64: 1024, 2>}]} {
    %get3A = arith.constant 0 : index
    %get3A_0 = arith.constant 0 : index
    %get3A_1 = arith.constant 0 : index
    %get3A_2 = vector.load %arg1[%get3A, %get3A_0, %get3A_1] : memref<2x1024x128xf32, #tpu.memory_space<vmem>>, vector<1x1024x128xf32>
    %get3A_3 = vector.shape_cast %get3A_2 : vector<1x1024x128xf32> to vector<1024x128xf32>
    %get3A_4 = arith.constant 1 : index
    %get3A_5 = arith.constant 0 : index
    %get3A_6 = arith.constant 0 : index
    %get3A_7 = vector.load %arg1[%get3A_4, %get3A_5, %get3A_6] : memref<2x1024x128xf32, #tpu.memory_space<vmem>>, vector<1x1024x128xf32>
    %get3A_8 = vector.shape_cast %get3A_7 : vector<1x1024x128xf32> to vector<1024x128xf32>
    %add3A = arith.addf %get3A_3, %get3A_8 : vector<1024x128xf32>
    %get3A_9 = arith.constant 0 : index
    %get3A_10 = arith.constant 0 : index
    %get3A_11 = vector.load %arg2[%get3A_9, %get3A_10] : memref<1x128xf32, #tpu.memory_space<vmem>>, vector<1x128xf32>
    %add3A_12 = vector.broadcast %get3A_11 : vector<1x128xf32> to vector<1024x128xf32>
    %add3A_13 = arith.addf %add3A, %add3A_12 : vector<1024x128xf32>
    %get3A_14 = arith.constant 0 : index
    %get3A_15 = arith.constant 0 : index
    %get3A_16 = vector.load %arg3[%get3A_14, %get3A_15] : memref<128x2xf32, #tpu.memory_space<vmem>>, vector<128x2xf32>
    %dot_general3A = arith.constant dense<0.000000e+00> : vector<1024x2xf32>
    %dot_general3A_17 = tpu.matmul %add3A_13, %get3A_16, %dot_general3A {dimension_numbers = #tpu.dot_dimension_numbers<[1], [0], [0], [1], [0, 0, 1, 1], [], []>, transpose_lhs_hint = false} : vector<1024x128xf32>, vector<128x2xf32>, vector<1024x2xf32> -> vector<1024x2xf32>
    %get3A_18 = arith.constant 0 : index
    %get3A_19 = arith.constant 0 : index
    %get3A_20 = vector.load %arg4[%get3A_18, %get3A_19] : memref<1x2xf32, #tpu.memory_space<vmem>>, vector<1x2xf32>
    %add3A_21 = vector.broadcast %get3A_20 : vector<1x2xf32> to vector<1024x2xf32>
    %add3A_22 = arith.addf %dot_general3A_17, %add3A_21 : vector<1024x2xf32>
    %swap3A = arith.constant 0 : index
    %swap3A_23 = arith.constant 0 : index
    %swap3A_24 = vector.load %arg5[%swap3A, %swap3A_23] : memref<1024x2xf32, #tpu.memory_space<vmem>>, vector<1024x2xf32>
    tpu.vector_store %arg5[%swap3A, %swap3A_23], %add3A_22 {strides = array<i32>} : memref<1024x2xf32, #tpu.memory_space<vmem>>, vector<1024x2xf32>,
    return
  }
  func.func @transform_0(%arg0: i32) -> (i32, i32, i32) {
    %c0_i32 = arith.constant 0 : i32
    %c0_i32_0 = arith.constant 0 : i32
    %c0_i32_1 = arith.constant 0 : i32
    return %c0_i32, %arg0, %c0_i32_0 : i32, i32, i32
  }
  func.func @transform_1(%arg0: i32) -> (i32, i32) {
    %c0_i32 = arith.constant 0 : i32
    %c0_i32_0 = arith.constant 0 : i32
    %c0_i32_1 = arith.constant 0 : i32
    return %c0_i32, %c0_i32_0 : i32, i32
  }
  func.func @transform_2(%arg0: i32) -> (i32, i32) {
    %c0_i32 = arith.constant 0 : i32
    %c0_i32_0 = arith.constant 0 : i32
    %c0_i32_1 = arith.constant 0 : i32
    return %c0_i32, %c0_i32_0 : i32, i32
  }
  func.func @transform_3(%arg0: i32) -> (i32, i32) {
    %c0_i32 = arith.constant 0 : i32
    %c0_i32_0 = arith.constant 0 : i32
    %c0_i32_1 = arith.constant 0 : i32
    return %c0_i32, %c0_i32_0 : i32, i32
  }
  func.func @transform_4(%arg0: i32) -> (i32, i32) {
    %c0_i32 = arith.constant 0 : i32
    %c0_i32_0 = arith.constant 0 : i32
    return %arg0, %c0_i32 : i32, i32
  }
}

</mosaic_0001>

<sc_bundles>
// kernel: kernel.10.cloned.1.call-start
scs
__scs_entry_jumppad:
0x0: {  	(pc) =	sbr.rel $0x88, $3  }
0x1: {  	(tag) =	ssettag $0x0;
	lr =	simm.s32 $0x1  }
0x2: {  	[smem:$0x3F93] =	sst lr;
	_ =	strace $0xD0000000  }
0x3: {  	_ = 	snop  }
0x4: {  	_ = 	snop  }
0x5: {  	_ = 	snop  }
0x6: {  	_ = 	snop  }
0x7: {  	_ = 	snop  }
__scs_overlays_trampoline_lowered:
0x8: {  	[smem:$0x3FA2] =	sst s0  }
0x9: {  	[smem:$0x3FA3] =	sst s1  }
0xa: {  	[smem:$0x3FA4] =	sst s2  }
0xb: {  	[smem:$0x3FA5] =	sst s3  }
0xc: {  	[smem:$0x3FA6] =	sst s4  }
0xd: {  	[smem:$0x3FA7] =	sst s5  }
0xe: {  	[smem:$0x3FA8] =	sst s6  }
0xf: {  	[smem:$0x3FA9] =	sst s7  }
0x10: {  	[smem:$0x3FAA] =	sst s8  }
0x11: {  	[smem:$0x3FAB] =	sst s9;
	s0 =	simm.s32 @!p0 $0x0  }
0x12: {  	s1 =	sld [smem:$0x3F91];
	s0 =	simm.s32 @p0 $0x1  }
0x13: {  	[smem:$0x3FAC] =	sst s0;
	s0 =	simm.s32 @!p1 $0x0  }
0x14: {  	s2 =	sld [smem:$0x3F90];
	s0 =	simm.s32 @p1 $0x1  }
0x15: {  	[smem:$0x3FAD] =	sst s0;
	s0 =	simm.s32 @!p2 $0x0  }
0x16: {  	s3 =	sld [smem:$0x3FDB];
	s0 =	simm.s32 @p2 $0x1  }
0x17: {  	s4 =	simm.s32 $0x1BF5;
	[smem:$0x3FAF] =	sst s0  }
0x18: {  	s0 =	sld [smem:$0x3F92];
	_ =	swait.ge [sflag:s4], $0x0  }
0x19: {  	s7 =	sld [smem:$0x3F93]  }
0x1a: {  	s8 =	sadd.s32 $0xFFFFE003, lr  }
0x1b: {  	s9 =	sadd.s32 $0xFFFFFEF7, lr;
	s5 =	simm.s32 $0xFFFFFFFF;
	p2 =	slt.u32 s8, $0xFFFFF086  }
0x1c: {  	p1 =	slt.u32 s9, $0xF7A;
	s5 =	simm.s32 @!p2 $0x0  }
0x1d: {  	s5 =	simm.s32 @p1 $0x1;
	p0 =	seq.s32 s7, s2  }
0x1e: {  	s7 =	smul.u32 @!p0 $0xF7A, s2;
	p2 =	seq.s32 @!p0 s5, $0x0  }
0x1f: {  	s9 =	smul.u32 $0xF7A, s1;
	s8 =	simm.s32 @!p0 $0x1BF5;
	p2 =	por !p2, p0  }
0x20: {  	[sflag:s8] =	ssyncset.s32 @!p0 $0xFFFFF086;
	s6 =	sadd.s32 @!p0 s3, s7;
	s7 =	simm.s32 @!p0 $0x108  }
0x21: {  	s3 =	sadd.s32 s3, s9;
	s6 =	sadd.s32 @!p0 $0x88, s6;
	s7 =	simm.s32 @p2 $0x1082  }
0x22: {  	[simem:s7], [sflag:s8] =	dma.local @!p0 [hbm:s6], $0xF7A  }
0x23: {  	s9 =	sor.u32 $0xD0000000, s2;
	s6 =	simm.s32 $0x108;
	_ =	swait.ge @!p0 [sflag:s8], $0x0  }
0x24: {  	s3 =	sadd.s32 $0x88, s3;
	s6 =	simm.s32 @!p1 $0x1082;
	[sflag:s4] =	ssyncset.s32 $0xFFFFF086  }
0x25: {  	[simem:s6], [sflag:s4] =	dma.local [hbm:s3], $0xF7A  }
0x26: {  	[smem:$0x3F93] =	sst s1;
	(tag) =	ssettag s2;
	_ =	strace s9  }
0x27: {  	s1 =	sld [smem:$0x3FA3]  }
0x28: {  	s2 =	sld [smem:$0x3FA4]  }
0x29: {  	s4 =	sld [smem:$0x3FA6]  }
0x2a: {  	p0 =	seq.s32 s5, $0x0;
	s5 =	sld [smem:$0x3FA7]  }
0x2b: {  	s6 =	sld [smem:$0x3FA8]  }
0x2c: {  	s7 =	sld [smem:$0x3FA9]  }
0x2d: {  	s3 =	simm.s32 $0x108;
	s8 =	sld [smem:$0x3FAA]  }
0x2e: {  	s3 =	simm.s32 @!p0 $0x1082;
	s9 =	sld [smem:$0x3FAB]  }
0x2f: {  	lr =	sadd.s32 s0, s3;
	s0 =	sld [smem:$0x3FA2]  }
0x30: {  	s3 =	sld [smem:$0x3FA5]  }
0x31: {  	[smem:$0x3FAE] =	sst s10  }
0x32: {  	s10 =	sld [smem:$0x3FAC];
	_ =	sdelay $0x3  }
0x33: {  	p0 =	seq.s32 s10, $0x1;
	s10 =	sld [smem:$0x3FAE];
	_ =	sdelay $0x3  }
0x34: {  	[smem:$0x3FAE] =	sst s10  }
0x35: {  	s10 =	sld [smem:$0x3FAD];
	_ =	sdelay $0x3  }
0x36: {  	p1 =	seq.s32 s10, $0x1;
	s10 =	sld [smem:$0x3FAE];
	_ =	sdelay $0x3  }
0x37: {  	[smem:$0x3FAE] =	sst s10  }
0x38: {  	s10 =	sld [smem:$0x3FAF]  }
0x39: {  	_ = 	snop;
	(pc) =	sbr.ind lr, $3  }
0x3a: {  	_ = 	snop  }
0x3b: {  	_ = 	snop  }
0x3c: {  	p2 =	seq.s32 s10, $0x1;
	s10 =	sld [smem:$0x3FAE]  }
0x3d: {  	_ =	shalt  }
0x3e: {  	_ =	shalt  }
0x3f: {  	_ =	shalt  }
0x40: {  	_ =	shalt  }
0x41: {  	_ =	shalt  }
0x42: {  	_ =	shalt  }
0x43: {  	_ =	shalt  }
0x44: {  	_ =	shalt  }
0x45: {  	_ =	shalt  }
0x46: {  	_ =	shalt  }
0x47: {  	_ =	shalt  }
0x48: {  	_ =	shalt  }
0x49: {  	_ =	shalt  }
0x4a: {  	_ =	shalt  }
0x4b: {  	_ =	shalt  }
0x4c: {  	_ =	shalt  }
0x4d: {  	_ =	shalt  }
0x4e: {  	_ =	shalt  }
0x4f: {  	_ =	shalt  }
0x50: {  	_ =	shalt  }
0x51: {  	_ =	shalt  }
0x52: {  	_ =	shalt  }
0x53: {  	_ =	shalt  }
0x54: {  	_ =	shalt  }
0x55: {  	_ =	shalt  }
0x56: {  	_ =	shalt  }
0x57: {  	_ =	shalt  }
0x58: {  	_ =	shalt  }
0x59: {  	_ =	shalt  }
0x5a: {  	_ =	shalt  }
0x5b: {  	_ =	shalt  }
0x5c: {  	_ =	shalt  }
0x5d: {  	_ =	shalt  }
0x5e: {  	_ =	shalt  }
0x5f: {  	_ =	shalt  }
0x60: {  	_ =	shalt  }
0x61: {  	_ =	shalt  }
0x62: {  	_ =	shalt  }
0x63: {  	_ =	shalt  }
0x64: {  	_ =	shalt  }
0x65: {  	_ =	shalt  }
0x66: {  	_ =	shalt  }
0x67: {  	_ =	shalt  }
0x68: {  	_ =	shalt  }
0x69: {  	_ =	shalt  }
0x6a: {  	_ =	shalt  }
0x6b: {  	_ =	shalt  }
0x6c: {  	_ =	shalt  }
0x6d: {  	_ =	shalt  }
0x6e: {  	_ =	shalt  }
0x6f: {  	_ =	shalt  }
0x70: {  	_ =	shalt  }
0x71: {  	_ =	shalt  }
0x72: {  	_ =	shalt  }
0x73: {  	_ =	shalt  }
0x74: {  	_ =	shalt  }
0x75: {  	_ =	shalt  }
0x76: {  	_ =	shalt  }
0x77: {  	_ =	shalt  }
0x78: {  	_ =	shalt  }
0x79: {  	_ =	shalt  }
0x7a: {  	_ =	shalt  }
0x7b: {  	_ =	shalt  }
0x7c: {  	_ =	shalt  }
0x7d: {  	_ =	shalt  }
0x7e: {  	_ =	shalt  }
0x7f: {  	_ =	shalt  }
0x80: {  	_ =	shalt  }
0x81: {  	_ =	shalt  }
0x82: {  	_ =	shalt  }
0x83: {  	_ =	shalt  }
0x84: {  	_ =	shalt  }
0x85: {  	_ =	shalt  }
0x86: {  	_ =	shalt  }
0x87: {  	_ =	shalt  }
.Lfunc_end0:
.L_simem_size_0:
called_computation_lowered:
.L_overlay_start_0:
0x88: {  	s2 =	sld [smem:$0x3FD9]  }
0x89: {  	s3 =	sld [smem:$0x3FFE];
	_ =	sdelay $0x1  }
0x8a: {  	s1 =	srdreg.scid  }
0x8b: {  	s0 =	sand.u32 $0x1, s1  }
0x8c: {  	s16 =	sshll.u32 s0, $0xA;
	s2 =	sadd.s32 s3, s2  }
0x8d: {  	s2 =	sadd.s32 s2, s16  }
0x8e: {  	[smem:$0x3FBA] =	sst s2  }
0x8f: {  	_ = 	snop  }
0x90: {  	(tm) =	ssettm $0x1  }
0x91: {  	s17 =	sld [smem:$0x3FFB];
	_ =	sdelay $0x3  }
0x92: {  	_ =	strace s17  }
0x93: {  	s2 =	sld [smem:$0x3FFC];
	_ =	sdelay $0x3  }
0x94: {  	_ =	strace s2  }
0x95: {  	s2 =	sld [smem:$0x3FFD];
	_ =	sdelay $0x3  }
0x96: {  	_ =	strace s2  }
0x97: {  	_ =	strace $0x8FFFFFFF  }
0x98: {  	s18 =	sld [smem:$0x3FDB];
	_ =	sdelay $0x1  }
0x99: {  	s19 =	simm.s32 $_scs_section_size  }
0x9a: {  	s4 =	simm.s32 $_size__tile_overlayer_lowered;
	s5 =	simm.s32 $_tile_overlayer_lowered  }
0x9b: {  	s22 =	simm.s32 $0x1BFF;
	s21 =	sshll.u32 s5, $0x1;
	s2 =	sadd.s32 s19, s18  }
0x9c: {  	s6 =	simm.s32 $0x0;
	s20 =	sshll.u32 s4, $0x1;
	s4 =	sadd.s32 s21, s2  }
0x9d: {  	[timem:s6], [sflag:s22] =	dma.local [hbm:s4], s20  }
0x9e: {  	_ =	swait.ge [sflag:s22], s20  }
0x9f: {  	s3 =	ssub.s32 $0x0, s20;
	[sflag:s22] =	ssyncset.done $0x0  }
0xa0: {  	[sflag:s22] =	ssyncadd.s32 s3;
	_ =	sdelay $0x1  }
0xa1: {  	s23 =	simm.s32 $0x1B8B  }
0xa2: {  	_ =	swait.ge [sflag:s23], $0x1  }
0xa3: {  	[sflag:s23] =	ssyncset.done $0x0  }
0xa4: {  	s25 =	simm.s32 $0x1B8E;
	s24 =	sld [smem:$0x3FFE];
	[sflag:s23] =	ssyncadd.s32 $0xFFFFFFFF  }
0xa5: {  	s26 =	simm.s32 $execute0_lowered;
	[smem:$0x3FD2] =	sst s25  }
0xa6: {  	s4 =	sshll.u32 s26, $0x1;
	_ =	strace $0x80000046;
	[dreg:$0x1] =	wrdreg $0xFFFFFFFF  }
0xa7: {  	s28 =	simm.s32 $_size_execute0_lowered;
	s2 =	sadd.s32 s2, s4;
	[dreg:$0x0] =	wrdreg $0x0  }
0xa8: {  	s4 =	sshll.u32 s28, $0x1;
	[dreg:$0x2] =	wrdreg s2  }
0xa9: {  	[dreg:$0x3] =	wrdreg s4  }
0xaa: {  	[dreg:$0x4] =	wrdreg $0xC0  }
0xab: {  	_ =	task [dreg:s6], $0x5FFFF  }
0xac: {  	[dreg:$0x1] =	wrdreg $0xFFFFFFFF  }
0xad: {  	[dreg:$0x0] =	wrdreg $0x60  }
0xae: {  	[dreg:$0x2] =	wrdreg s24  }
0xaf: {  	[dreg:$0x3] =	wrdreg $0x50000  }
0xb0: {  	[dreg:$0x4] =	wrdreg $0x9  }
0xb1: {  	_ =	task.clear_ibuf [dreg:s6], $0x5FFFF;
	_ =	strace $0x90000046  }
0xb2: {  	s29 =	simm.s32 $0x9;
	_ =	strace $0x80000048  }
0xb3: {  	_ =	swait.ge [sflag:s29], $0x1  }
0xb4: {  	[sflag:s29] =	ssyncadd.s32 $0xFFFFFFFF  }
0xb5: {  	_ =	strace $0x90000048  }
0xb6: {  	_ =	sfence  }
0xb7: {  	s30 =	sld [smem:$0x0];
	_ =	sdelay $0x2  }
0xb8: {  	s31 =	sshll.u32 s1, $0xD;
	s1 =	sshrl.u32 s1, $0x2  }
0xb9: {  	s3 =	sand.u32 $0x4000, s31;
	s1 =	sadd.s32 s1, s30  }
0xba: {  	s0 =	sor.u32 s3, s0;
	s1 =	sshll.u32 s1, $0x11  }
0xbb: {  	s0 =	sor.u32 s1, s0  }
0xbc: {  	s0 =	sadd.s32 $0x8F2B, s0  }
0xbd: {  	[sflag:s0] =	ssyncadd.remote.s32 $0x1  }
0xbe: {  	_ =	sfence.sel $0xFFFF  }
0xbf: {  	[dreg:$0x0] =	wrdreg $0xFFFFFFFF;
	(pc) =	sbr.abs _section_cstart, $3  }
0xc0: {  	[dreg:$0x1] =	wrdreg $0xFFFFFFFF  }
0xc1: {  	_ =	task.clear_ibuf [dreg:s6], $0x2FFFF;
	_ =	strace $0x9FFFFFFF  }
0xc2: {  	(tm) =	ssettm $0x7FFFFFFF  }
0xc3: {  	_ =	shalt  }
tec
execute0_lowered:
.L_overlay_start_1:
0x0: {  	(tag) =	ssettag $0x1  }
0x1: {  	s0 =	rddreg [dreg:$0x0]  }
0x2: {  	s1 =	rddreg [dreg:$0x1];
	s2 =	simm.s32 $0x0;
	s3 =	srdreg.scid  }
0x3: {  	s12 =	stileid.u32;
	s28 =	simm.s32 $0x80;
	s29 =	simm.s32 $0x1  }
0x4: {  	s30 =	simm.s32 $0x8;
	s31 =	simm.s32 $0x100;
	[smem:$0x7FF] =	sst s2  }
0x5: {  	s4 =	sadd.s32 $0x34C00, s0;
	s5 =	sadd.s32 $0x20C00, s0;
	s10 =	smul.u32 $0x50000, s12  }
0x6: {  	s3 =	sand.u32 $0x1, s3;
	s6 =	sadd.s32 $0x16C00, s0;
	s18 =	smul.u32 $0x280, s12  }
0x7: {  	_ =	strace $0x80000047;
	s7 =	ssub.s32 $0x2, s3;
	s8 =	sshll.u32 s3, $0x7  }
0x8: {  	s9 =	sshrl.u32 s7, $0x1;
	s0 =	sadd.s32 s8, s0;
	s13 =	sshrl.u32 s10, $0x2  }
0x9: {  	s19 =	sadd.s32 $0x80, s18;
	s21 =	sadd.s32 $0x100, s18;
	s11 =	ssub.s32 s7, s9  }
0xa: {  	s7 =	smul.u32 $0x5000, s12;
	s0 =	sadd.s32 $0x2B4C00, s0;
	s8 =	sadd.s32 s13, s1  }
0xb: {  	s9 =	smul.u32 $0x50000, s3;
	s20 =	sshll.u32 s19, $0x7;
	s3 =	sshll.u32 s19, $0x5  }
0xc: {  	s22 =	sshll.u32 s21, $0x7;
	s19 =	sadd.s32 $0x180, s18;
	s15 =	smax.u32 s11, $0x1  }
0xd: {  	s16 =	sadd.s32 $0x4000, s8;
	s17 =	sadd.s32 $0x8000, s8;
	s10 =	sadd.s32 s20, s1  }
0xe: {  	s11 =	sshll.u32 s21, $0x5;
	s23 =	sshll.u32 s19, $0x7;
	[dreg:$0x4] =	wrdreg s15  }
0xf: {  	s20 =	sadd.s32 $0x200, s18;
	s24 =	sshll.u32 s19, $0x5;
	[dreg:$0x5] =	wrdreg s16  }
0x10: {  	s21 =	simm.s32 $0x2;
	s14 =	sadd.s32 s7, s0;
	[dreg:$0x6] =	wrdreg s17  }
0x11: {  	s15 =	sadd.s32 $0x10000, s8;
	s16 =	sadd.s32 s3, s0;
	s3 =	sadd.s32 s22, s1  }
0x12: {  	s17 =	sadd.s32 s11, s0;
	s11 =	sadd.s32 s23, s1;
	s25 =	sshll.u32 s20, $0x7  }
0x13: {  	s18 =	sadd.s32 s24, s0;
	s26 =	sshll.u32 s20, $0x5;
	s20 =	simm.s32 $0x1000  }
0x14: {  	s22 =	sshrl.u32 s10, $0x3;
	[dreg:$0x3] =	wrdreg s14;
	s14 =	sadd.s32 $0xC000, s8  }
0x15: {  	s25 =	sadd.s32 s25, s1;
	s19 =	sadd.s32 s26, s0;
	s23 =	sshrl.u32 s3, $0x3  }
0x16: {  	v0 =	vimm.f32 $0.0e+00;
	s24 =	sshrl.u32 s11, $0x3;
	s26 =	simm.s32 $0x800;
	s25 =	sshrl.u32 s25, $0x3  }
.LBB2_1:
0x17: {  	s0 =	simm.s32 $0x0;
	s3 =	simm.s32 $0x200  }
.LBB2_2:
0x18: {  	p0 =	sne.s32 s3, $0xFE00;
	[tilespmem:s0+$0x1070] =	vst v0  }
0x19: {  	[tilespmem:s0+$0x1000] =	vst v0  }
0x1a: {  	[tilespmem:s0+$0x1010] =	vst v0  }
.Ltmp0:
0x1b: {  	[tilespmem:s0+$0x1020] =	vst v0;
	(pc) =	sbr.rel @p0 .LBB2_2-.Ltmp0, $4  }
0x1c: {  	[tilespmem:s0+$0x1030] =	vst v0  }
0x1d: {  	[tilespmem:s0+$0x1040] =	vst v0  }
0x1e: {  	[tilespmem:s0+$0x1050] =	vst v0  }
0x1f: {  	[tilespmem:s0+$0x1060] =	vst v0;
	s0 =	sshra.s32 s3, $0x2;
	s3 =	sadd.s32 $0x200, s3  }
0x20: {  	[tilespmem:s0+$0x1070] =	vst v0  }
0x21: {  	[tilespmem:s0+$0x1000] =	vst v0  }
0x22: {  	[tilespmem:s0+$0x1010] =	vst v0  }
0x23: {  	[tilespmem:s0+$0x1020] =	vst v0  }
0x24: {  	[tilespmem:s0+$0x1030] =	vst v0  }
0x25: {  	[tilespmem:s0+$0x1040] =	vst v0  }
0x26: {  	[tilespmem:s0+$0x1050] =	vst v0  }
0x27: {  	[tilespmem:s0+$0x1060] =	vst v0  }
0x28: {  	[spmem:s8] =	stream.linear.scatter [tilespmem:s20], [sflag:$0x2], $0x4000, $0x38;
	[tilespmem:$0x19000] =	vst v63  }
0x29: {  	_ =	swait.ge [sflag:s21], $0x4000  }
0x2a: {  	[sflag:s21] =	ssyncset.done $0x0  }
0x2b: {  	s12 =	rddreg [dreg:$0x5];
	[sflag:s21] =	ssyncadd.s32 $0xFFFFC000  }
0x2c: {  	[spmem:s12] =	stream.linear.scatter [tilespmem:s20], [sflag:$0x2], $0x4000, $0x38;
	[tilespmem:$0x19000] =	vst v63  }
0x2d: {  	_ =	swait.ge [sflag:s21], $0x4000  }
0x2e: {  	[sflag:s21] =	ssyncset.done $0x0  }
0x2f: {  	s13 =	rddreg [dreg:$0x6];
	[sflag:s21] =	ssyncadd.s32 $0xFFFFC000  }
0x30: {  	[spmem:s13] =	stream.linear.scatter [tilespmem:s20], [sflag:$0x2], $0x4000, $0x38;
	[tilespmem:$0x19000] =	vst v63  }
0x31: {  	_ =	swait.ge [sflag:s21], $0x4000  }
0x32: {  	[sflag:s21] =	ssyncset.done $0x0  }
0x33: {  	[sflag:s21] =	ssyncadd.s32 $0xFFFFC000  }
0x34: {  	[spmem:s14] =	stream.linear.scatter [tilespmem:s20], [sflag:$0x2], $0x4000, $0x38;
	[tilespmem:$0x19000] =	vst v63  }
0x35: {  	_ =	swait.ge [sflag:s21], $0x4000  }
0x36: {  	[sflag:s21] =	ssyncset.done $0x0  }
0x37: {  	[sflag:s21] =	ssyncadd.s32 $0xFFFFC000  }
0x38: {  	[spmem:s15] =	stream.linear.scatter [tilespmem:s20], [sflag:$0x2], $0x4000, $0x38;
	[tilespmem:$0x19000] =	vst v63  }
0x39: {  	_ =	swait.ge [sflag:s21], $0x4000  }
0x3a: {  	[sflag:s21] =	ssyncset.done $0x0  }
0x3b: {  	[sflag:s21] =	ssyncadd.s32 $0xFFFFC000  }
0x3c: {  	s0 =	simm.s32 $0x0;
	s3 =	simm.s32 $0x0;
	[bflag:$0x0] =	sbarrier.arrive $0xFFFF  }
.LBB2_4:
0x3d: {  	s10 =	sshll.u32 s3, $0xB  }
0x3e: {  	s10 =	sadd.s32 s7, s10  }
0x3f: {  	s11 =	sadd.s32 s9, s10  }
0x40: {  	s11 =	sshrl.u32 s11, $0x3  }
0x41: {  	s11 =	sadd.s32 s5, s11  }
0x42: {  	[tilespmem:s0], [sflag:$0x2] =	stream.linear.gather [hbm4b:s11+s0], $0x800, $0x38;
	[tilespmem:$0x19000] =	vst v63  }
0x43: {  	_ =	swait.ge [sflag:s21], $0x800  }
0x44: {  	s10 =	sshrl.u32 s10, $0x3;
	[sflag:s21] =	ssyncset.done $0x0  }
0x45: {  	s10 =	sadd.s32 s6, s10;
	[sflag:s21] =	ssyncadd.s32 $0xFFFFF800  }
0x46: {  	[tilespmem:s26], [sflag:$0x2] =	stream.linear.gather [hbm4b:s10+s0], $0x800, $0x38;
	[tilespmem:$0x19000] =	vst v63  }
0x47: {  	_ =	swait.ge [sflag:s21], $0x800  }
0x48: {  	[sflag:s21] =	ssyncset.done $0x0  }
0x49: {  	s12 =	simm.s32 $0x0;
	[sflag:s21] =	ssyncadd.s32 $0xFFFFF800  }
0x4a: {  	[tilespmem:s20], [sflag:$0x1] =	stream.indirect.gather [hbm4b:s4+s28], $0x80, s12, s28, $0xb8;
	[tilespmem:$0x19000] =	vst v63  }
0x4b: {  	_ =	swait.ge [sflag:s29], $0x4000  }
0x4c: {  	[sflag:s29] =	ssyncset.done $0x0  }
0x4d: {  	s13 =	simm.s32 $0x800;
	[sflag:s29] =	ssyncadd.s32 $0xFFFFC000  }
0x4e: {  	[spmem:s1] =	stream.indirect.scatter.add.f32 [tilespmem:s20], [sflag:$0x2], $0x80, s13, s28, $0xb8;
	[tilespmem:$0x19000] =	vst v63  }
0x4f: {  	_ =	swait.ge [sflag:s21], $0x4000  }
0x50: {  	s11 =	simm.s32 $0x400;
	s10 =	simm.s32 $0x200;
	[sflag:s21] =	ssyncset.done $0x0  }
.LBB2_5:
0x51: {  	s12 =	sshra.s32 s10, $0x2  }
0x52: {  	[sflag:s21] =	ssyncadd.s32 $0xFFFFC000;
	s10 =	smov.u32 s11;
	s13 =	sadd.s32 $0x200, s11  }
0x53: {  	[tilespmem:s20], [sflag:$0x1] =	stream.indirect.gather [hbm4b:s4+s28], $0x80, s12, s28, $0xb8;
	[tilespmem:$0x19000] =	vst v63  }
0x54: {  	p0 =	sne.s32 s11, $0x1E00;
	_ =	swait.ge [sflag:s29], $0x4000  }
.Ltmp1:
0x55: {  	[sflag:s29] =	ssyncset.done $0x0;
	(pc) =	sbr.rel @p0 .LBB2_5-.Ltmp1, $4  }
0x56: {  	s11 =	sadd.s32 $0x800, s12;
	[sflag:s29] =	ssyncadd.s32 $0xFFFFC000  }
0x57: {  	[spmem:s1] =	stream.indirect.scatter.add.f32 [tilespmem:s20], [sflag:$0x2], $0x80, s11, s28, $0xb8;
	[tilespmem:$0x19000] =	vst v63  }
0x58: {  	_ =	swait.ge [sflag:s21], $0x4000  }
0x59: {  	s11 =	smov.u32 s13;
	[sflag:s21] =	ssyncset.done $0x0  }
0x5a: {  	s10 =	sshra.s32 s10, $0x2;
	[sflag:s21] =	ssyncadd.s32 $0xFFFFC000  }
0x5b: {  	[tilespmem:s20], [sflag:$0x1] =	stream.indirect.gather [hbm4b:s4+s28], $0x80, s10, s28, $0xb8;
	[tilespmem:$0x19000] =	vst v63  }
0x5c: {  	s3 =	sadd.s32 $0x1, s3;
	_ =	swait.ge [sflag:s29], $0x4000  }
0x5d: {  	p0 =	sne.s32 s3, $0xA;
	[sflag:s29] =	ssyncset.done $0x0  }
.Ltmp2:
0x5e: {  	s10 =	sadd.s32 $0x800, s10;
	[sflag:s29] =	ssyncadd.s32 $0xFFFFC000;
	(pc) =	sbr.rel @p0 .LBB2_4-.Ltmp2, $4  }
0x5f: {  	[spmem:s1] =	stream.indirect.scatter.add.f32 [tilespmem:s20], [sflag:$0x2], $0x80, s10, s28, $0xb8;
	[tilespmem:$0x19000] =	vst v63  }
0x60: {  	_ =	swait.ge [sflag:s21], $0x4000  }
0x61: {  	[sflag:s21] =	ssyncset.done $0x0  }
0x62: {  	[sflag:s21] =	ssyncadd.s32 $0xFFFFC000  }
0x63: {  	s0 =	stileid.u32  }
0x64: {  	[bflag:$0x0] =	sbarrier.arrive $0xFFFF;
	s0 =	sshll.u32 s0, $0x6  }
0x65: {  	s3 =	sshrl.u32 s8, $0x3;
	s10 =	rddreg [dreg:$0x3];
	s0 =	sor.u32 $0x1C02, s0  }
0x66: {  	[hbm:s10@s31], [sflag:s0] =	dma.strided [spmem:s3@s28], $0x800, s30, $0x10   }
0x67: {  	_ =	swait.ge [sflag:s21], $0x800  }
0x68: {  	[sflag:s21] =	ssyncset.done $0x0  }
0x69: {  	[sflag:s21] =	ssyncadd.s32 $0xFFFFF800  }
0x6a: {  	[hbm:s16@s31], [sflag:s0] =	dma.strided [spmem:s22@s28], $0x800, s30, $0x10   }
0x6b: {  	_ =	swait.ge [sflag:s21], $0x800  }
0x6c: {  	[sflag:s21] =	ssyncset.done $0x0  }
0x6d: {  	[sflag:s21] =	ssyncadd.s32 $0xFFFFF800  }
0x6e: {  	[hbm:s17@s31], [sflag:s0] =	dma.strided [spmem:s23@s28], $0x800, s30, $0x10   }
0x6f: {  	_ =	swait.ge [sflag:s21], $0x800  }
0x70: {  	[sflag:s21] =	ssyncset.done $0x0  }
0x71: {  	[sflag:s21] =	ssyncadd.s32 $0xFFFFF800  }
0x72: {  	[hbm:s18@s31], [sflag:s0] =	dma.strided [spmem:s24@s28], $0x800, s30, $0x10   }
0x73: {  	_ =	swait.ge [sflag:s21], $0x800  }
0x74: {  	[sflag:s21] =	ssyncset.done $0x0  }
0x75: {  	[sflag:s21] =	ssyncadd.s32 $0xFFFFF800  }
0x76: {  	[hbm:s19@s31], [sflag:s0] =	dma.strided [spmem:s25@s28], $0x800, s30, $0x10   }
0x77: {  	_ =	swait.ge [sflag:s21], $0x800  }
0x78: {  	s2 =	sadd.s32 $0x1, s2;
	s13 =	rddreg [dreg:$0x4]  }
0x79: {  	p0 =	sne.s32 s2, s13  }
.Ltmp3:
0x7a: {  	_ = 	snop;
	(pc) =	sbr.rel @p0 .LBB2_1-.Ltmp3, $3  }
0x7b: {  	_ =	sdelay $0x1  }
0x7c: {  	[sflag:s21] =	ssyncset.done $0x0  }
0x7d: {  	[sflag:s21] =	ssyncadd.s32 $0xFFFFF800  }
0x7e: {  	_ =	sfence.sel $0x180000  }
0x7f: {  	[bflag:$0x0] =	sbarrier.arrive $0xFFFF  }
0x80: {  	_ =	strace $0x90000047  }
0x81: {  	s0 =	stileid.u32;
	[bflag:$0x2] =	sbarrier.arrive $0xFFFF  }
0x82: {  	p0 =	sne.s32 s0, $0x0;
	s0 =	rddreg [dreg:$0x2]  }
0x83: {  	s0 =	sadd.s32 @!p0 $0x100000, s0  }
0x84: {  	[sflag:s0] =	ssyncadd.tile.s32 @!p0 $0x1;
	_ =	shalt  }
.Lfunc_end2:
_tile_overlayer_lowered:
.L_overlay_start_2:
0x85: {  	(tag) =	ssettag $0x2  }
0x86: {  	s0 =	rddreg [dreg:$0x0];
	s2 =	stileid.u32  }
0x87: {  	s1 =	rddreg [dreg:$0x1];
	p0 =	sne.s32 s2, $0x0  }
0x88: {  	s3 =	rddreg [dreg:$0x2];
	[bflag:$0x3] =	sbarrier.arrive $0xFFFF;
	s2 =	simm.s32 @!p0 $0x1C02  }
0x89: {  	[timem:s3], [sflag:s2] =	dma.local @!p0 [hbm:s0], s1  }
0x8a: {  	s0 =	simm.s32 @!p0 $0x2  }
0x8b: {  	_ =	swait.ge @!p0 [sflag:s0], s1  }
0x8c: {  	s1 =	ssub.s32 @!p0 $0x0, s1;
	[sflag:s0] =	ssyncset.done @!p0 $0x0  }
0x8d: {  	[sflag:s0] =	ssyncadd.s32 @!p0 s1  }
0x8e: {  	[bflag:$0x3] =	sbarrier.arrive $0xFFFF  }
0x8f: {  	_ =	shalt  }

// kernel: kernel.13.cloned.1.call-start
scs
__scs_entry_jumppad:
0x0: {  	(pc) =	sbr.rel $0x88, $3  }
0x1: {  	(tag) =	ssettag $0x0;
	lr =	simm.s32 $0x1  }
0x2: {  	[smem:$0x3F93] =	sst lr;
	_ =	strace $0xD0000000  }
0x3: {  	_ = 	snop  }
0x4: {  	_ = 	snop  }
0x5: {  	_ = 	snop  }
0x6: {  	_ = 	snop  }
0x7: {  	_ = 	snop  }
__scs_overlays_trampoline_lowered:
0x8: {  	[smem:$0x3FA2] =	sst s0  }
0x9: {  	[smem:$0x3FA3] =	sst s1  }
0xa: {  	[smem:$0x3FA4] =	sst s2  }
0xb: {  	[smem:$0x3FA5] =	sst s3  }
0xc: {  	[smem:$0x3FA6] =	sst s4  }
0xd: {  	[smem:$0x3FA7] =	sst s5  }
0xe: {  	[smem:$0x3FA8] =	sst s6  }
0xf: {  	[smem:$0x3FA9] =	sst s7  }
0x10: {  	[smem:$0x3FAA] =	sst s8  }
0x11: {  	[smem:$0x3FAB] =	sst s9;
	s0 =	simm.s32 @!p0 $0x0  }
0x12: {  	s1 =	sld [smem:$0x3F91];
	s0 =	simm.s32 @p0 $0x1  }
0x13: {  	[smem:$0x3FAC] =	sst s0;
	s0 =	simm.s32 @!p1 $0x0  }
0x14: {  	s2 =	sld [smem:$0x3F90];
	s0 =	simm.s32 @p1 $0x1  }
0x15: {  	[smem:$0x3FAD] =	sst s0;
	s0 =	simm.s32 @!p2 $0x0  }
0x16: {  	s3 =	sld [smem:$0x3FDB];
	s0 =	simm.s32 @p2 $0x1  }
0x17: {  	s4 =	simm.s32 $0x1BF5;
	[smem:$0x3FAF] =	sst s0  }
0x18: {  	s0 =	sld [smem:$0x3F92];
	_ =	swait.ge [sflag:s4], $0x0  }
0x19: {  	s7 =	sld [smem:$0x3F93]  }
0x1a: {  	s8 =	sadd.s32 $0xFFFFE003, lr  }
0x1b: {  	s9 =	sadd.s32 $0xFFFFFEF7, lr;
	s5 =	simm.s32 $0xFFFFFFFF;
	p2 =	slt.u32 s8, $0xFFFFF086  }
0x1c: {  	p1 =	slt.u32 s9, $0xF7A;
	s5 =	simm.s32 @!p2 $0x0  }
0x1d: {  	s5 =	simm.s32 @p1 $0x1;
	p0 =	seq.s32 s7, s2  }
0x1e: {  	s7 =	smul.u32 @!p0 $0xF7A, s2;
	p2 =	seq.s32 @!p0 s5, $0x0  }
0x1f: {  	s9 =	smul.u32 $0xF7A, s1;
	s8 =	simm.s32 @!p0 $0x1BF5;
	p2 =	por !p2, p0  }
0x20: {  	[sflag:s8] =	ssyncset.s32 @!p0 $0xFFFFF086;
	s6 =	sadd.s32 @!p0 s3, s7;
	s7 =	simm.s32 @!p0 $0x108  }
0x21: {  	s3 =	sadd.s32 s3, s9;
	s6 =	sadd.s32 @!p0 $0x88, s6;
	s7 =	simm.s32 @p2 $0x1082  }
0x22: {  	[simem:s7], [sflag:s8] =	dma.local @!p0 [hbm:s6], $0xF7A  }
0x23: {  	s9 =	sor.u32 $0xD0000000, s2;
	s6 =	simm.s32 $0x108;
	_ =	swait.ge @!p0 [sflag:s8], $0x0  }
0x24: {  	s3 =	sadd.s32 $0x88, s3;
	s6 =	simm.s32 @!p1 $0x1082;
	[sflag:s4] =	ssyncset.s32 $0xFFFFF086  }
0x25: {  	[simem:s6], [sflag:s4] =	dma.local [hbm:s3], $0xF7A  }
0x26: {  	[smem:$0x3F93] =	sst s1;
	(tag) =	ssettag s2;
	_ =	strace s9  }
0x27: {  	s1 =	sld [smem:$0x3FA3]  }
0x28: {  	s2 =	sld [smem:$0x3FA4]  }
0x29: {  	s4 =	sld [smem:$0x3FA6]  }
0x2a: {  	p0 =	seq.s32 s5, $0x0;
	s5 =	sld [smem:$0x3FA7]  }
0x2b: {  	s6 =	sld [smem:$0x3FA8]  }
0x2c: {  	s7 =	sld [smem:$0x3FA9]  }
0x2d: {  	s3 =	simm.s32 $0x108;
	s8 =	sld [smem:$0x3FAA]  }
0x2e: {  	s3 =	simm.s32 @!p0 $0x1082;
	s9 =	sld [smem:$0x3FAB]  }
0x2f: {  	lr =	sadd.s32 s0, s3;
	s0 =	sld [smem:$0x3FA2]  }
0x30: {  	s3 =	sld [smem:$0x3FA5]  }
0x31: {  	[smem:$0x3FAE] =	sst s10  }
0x32: {  	s10 =	sld [smem:$0x3FAC];
	_ =	sdelay $0x3  }
0x33: {  	p0 =	seq.s32 s10, $0x1;
	s10 =	sld [smem:$0x3FAE];
	_ =	sdelay $0x3  }
0x34: {  	[smem:$0x3FAE] =	sst s10  }
0x35: {  	s10 =	sld [smem:$0x3FAD];
	_ =	sdelay $0x3  }
0x36: {  	p1 =	seq.s32 s10, $0x1;
	s10 =	sld [smem:$0x3FAE];
	_ =	sdelay $0x3  }
0x37: {  	[smem:$0x3FAE] =	sst s10  }
0x38: {  	s10 =	sld [smem:$0x3FAF]  }
0x39: {  	_ = 	snop;
	(pc) =	sbr.ind lr, $3  }
0x3a: {  	_ = 	snop  }
0x3b: {  	_ = 	snop  }
0x3c: {  	p2 =	seq.s32 s10, $0x1;
	s10 =	sld [smem:$0x3FAE]  }
0x3d: {  	_ =	shalt  }
0x3e: {  	_ =	shalt  }
0x3f: {  	_ =	shalt  }
0x40: {  	_ =	shalt  }
0x41: {  	_ =	shalt  }
0x42: {  	_ =	shalt  }
0x43: {  	_ =	shalt  }
0x44: {  	_ =	shalt  }
0x45: {  	_ =	shalt  }
0x46: {  	_ =	shalt  }
0x47: {  	_ =	shalt  }
0x48: {  	_ =	shalt  }
0x49: {  	_ =	shalt  }
0x4a: {  	_ =	shalt  }
0x4b: {  	_ =	shalt  }
0x4c: {  	_ =	shalt  }
0x4d: {  	_ =	shalt  }
0x4e: {  	_ =	shalt  }
0x4f: {  	_ =	shalt  }
0x50: {  	_ =	shalt  }
0x51: {  	_ =	shalt  }
0x52: {  	_ =	shalt  }
0x53: {  	_ =	shalt  }
0x54: {  	_ =	shalt  }
0x55: {  	_ =	shalt  }
0x56: {  	_ =	shalt  }
0x57: {  	_ =	shalt  }
0x58: {  	_ =	shalt  }
0x59: {  	_ =	shalt  }
0x5a: {  	_ =	shalt  }
0x5b: {  	_ =	shalt  }
0x5c: {  	_ =	shalt  }
0x5d: {  	_ =	shalt  }
0x5e: {  	_ =	shalt  }
0x5f: {  	_ =	shalt  }
0x60: {  	_ =	shalt  }
0x61: {  	_ =	shalt  }
0x62: {  	_ =	shalt  }
0x63: {  	_ =	shalt  }
0x64: {  	_ =	shalt  }
0x65: {  	_ =	shalt  }
0x66: {  	_ =	shalt  }
0x67: {  	_ =	shalt  }
0x68: {  	_ =	shalt  }
0x69: {  	_ =	shalt  }
0x6a: {  	_ =	shalt  }
0x6b: {  	_ =	shalt  }
0x6c: {  	_ =	shalt  }
0x6d: {  	_ =	shalt  }
0x6e: {  	_ =	shalt  }
0x6f: {  	_ =	shalt  }
0x70: {  	_ =	shalt  }
0x71: {  	_ =	shalt  }
0x72: {  	_ =	shalt  }
0x73: {  	_ =	shalt  }
0x74: {  	_ =	shalt  }
0x75: {  	_ =	shalt  }
0x76: {  	_ =	shalt  }
0x77: {  	_ =	shalt  }
0x78: {  	_ =	shalt  }
0x79: {  	_ =	shalt  }
0x7a: {  	_ =	shalt  }
0x7b: {  	_ =	shalt  }
0x7c: {  	_ =	shalt  }
0x7d: {  	_ =	shalt  }
0x7e: {  	_ =	shalt  }
0x7f: {  	_ =	shalt  }
0x80: {  	_ =	shalt  }
0x81: {  	_ =	shalt  }
0x82: {  	_ =	shalt  }
0x83: {  	_ =	shalt  }
0x84: {  	_ =	shalt  }
0x85: {  	_ =	shalt  }
0x86: {  	_ =	shalt  }
0x87: {  	_ =	shalt  }
.Lfunc_end0:
.L_simem_size_0:
called_computation.1_lowered:
.L_overlay_start_0:
0x88: {  	s2 =	sld [smem:$0x3FD9]  }
0x89: {  	s3 =	sld [smem:$0x3FFE];
	_ =	sdelay $0x1  }
0x8a: {  	s1 =	srdreg.scid  }
0x8b: {  	s0 =	sand.u32 $0x1, s1  }
0x8c: {  	s16 =	sshll.u32 s0, $0xA;
	s2 =	sadd.s32 s3, s2  }
0x8d: {  	s2 =	sadd.s32 s2, s16  }
0x8e: {  	[smem:$0x3FBA] =	sst s2  }
0x8f: {  	_ = 	snop  }
0x90: {  	(tm) =	ssettm $0x1  }
0x91: {  	s17 =	sld [smem:$0x3FFB];
	_ =	sdelay $0x3  }
0x92: {  	_ =	strace s17  }
0x93: {  	s2 =	sld [smem:$0x3FFC];
	_ =	sdelay $0x3  }
0x94: {  	_ =	strace s2  }
0x95: {  	s2 =	sld [smem:$0x3FFD];
	_ =	sdelay $0x3  }
0x96: {  	_ =	strace s2  }
0x97: {  	_ =	strace $0x8FFFFFFF  }
0x98: {  	s18 =	sld [smem:$0x3FDB];
	_ =	sdelay $0x1  }
0x99: {  	s19 =	simm.s32 $_scs_section_size  }
0x9a: {  	s4 =	simm.s32 $_size__tile_overlayer_lowered;
	s5 =	simm.s32 $_tile_overlayer_lowered  }
0x9b: {  	s22 =	simm.s32 $0x1BFF;
	s21 =	sshll.u32 s5, $0x1;
	s2 =	sadd.s32 s19, s18  }
0x9c: {  	s6 =	simm.s32 $0x0;
	s20 =	sshll.u32 s4, $0x1;
	s4 =	sadd.s32 s21, s2  }
0x9d: {  	[timem:s6], [sflag:s22] =	dma.local [hbm:s4], s20  }
0x9e: {  	_ =	swait.ge [sflag:s22], s20  }
0x9f: {  	s3 =	ssub.s32 $0x0, s20;
	[sflag:s22] =	ssyncset.done $0x0  }
0xa0: {  	[sflag:s22] =	ssyncadd.s32 s3;
	_ =	sdelay $0x1  }
0xa1: {  	s23 =	simm.s32 $0x1B8B  }
0xa2: {  	_ =	swait.ge [sflag:s23], $0x1  }
0xa3: {  	[sflag:s23] =	ssyncset.done $0x0  }
0xa4: {  	s25 =	simm.s32 $0x1B8E;
	s24 =	sld [smem:$0x3FFE];
	[sflag:s23] =	ssyncadd.s32 $0xFFFFFFFF  }
0xa5: {  	s26 =	simm.s32 $execute0_lowered;
	[smem:$0x3FD2] =	sst s25  }
0xa6: {  	s4 =	sshll.u32 s26, $0x1;
	_ =	strace $0x80000049;
	[dreg:$0x1] =	wrdreg $0xFFFFFFFF  }
0xa7: {  	s28 =	simm.s32 $_size_execute0_lowered;
	s2 =	sadd.s32 s2, s4;
	[dreg:$0x0] =	wrdreg $0x0  }
0xa8: {  	s4 =	sshll.u32 s28, $0x1;
	[dreg:$0x2] =	wrdreg s2  }
0xa9: {  	[dreg:$0x3] =	wrdreg s4  }
0xaa: {  	[dreg:$0x4] =	wrdreg $0xC0  }
0xab: {  	_ =	task [dreg:s6], $0x5FFFF  }
0xac: {  	[dreg:$0x1] =	wrdreg $0xFFFFFFFF  }
0xad: {  	[dreg:$0x0] =	wrdreg $0x60  }
0xae: {  	[dreg:$0x2] =	wrdreg s24  }
0xaf: {  	[dreg:$0x3] =	wrdreg $0x50000  }
0xb0: {  	[dreg:$0x4] =	wrdreg $0x9  }
0xb1: {  	_ =	task.clear_ibuf [dreg:s6], $0x5FFFF;
	_ =	strace $0x90000049  }
0xb2: {  	s29 =	simm.s32 $0x9;
	_ =	strace $0x8000004B  }
0xb3: {  	_ =	swait.ge [sflag:s29], $0x1  }
0xb4: {  	[sflag:s29] =	ssyncadd.s32 $0xFFFFFFFF  }
0xb5: {  	_ =	strace $0x9000004B  }
0xb6: {  	_ =	sfence  }
0xb7: {  	s30 =	sld [smem:$0x0];
	_ =	sdelay $0x2  }
0xb8: {  	s31 =	sshll.u32 s1, $0xD;
	s1 =	sshrl.u32 s1, $0x2  }
0xb9: {  	s3 =	sand.u32 $0x4000, s31;
	s1 =	sadd.s32 s1, s30  }
0xba: {  	s0 =	sor.u32 s3, s0;
	s1 =	sshll.u32 s1, $0x11  }
0xbb: {  	s0 =	sor.u32 s1, s0  }
0xbc: {  	s0 =	sadd.s32 $0x8F2B, s0  }
0xbd: {  	[sflag:s0] =	ssyncadd.remote.s32 $0x1  }
0xbe: {  	_ =	sfence.sel $0xFFFF  }
0xbf: {  	[dreg:$0x0] =	wrdreg $0xFFFFFFFF;
	(pc) =	sbr.abs _section_cstart, $3  }
0xc0: {  	[dreg:$0x1] =	wrdreg $0xFFFFFFFF  }
0xc1: {  	_ =	task.clear_ibuf [dreg:s6], $0x2FFFF;
	_ =	strace $0x9FFFFFFF  }
0xc2: {  	(tm) =	ssettm $0x7FFFFFFF  }
0xc3: {  	_ =	shalt  }
tec
execute0_lowered:
.L_overlay_start_1:
0x0: {  	(tag) =	ssettag $0x1  }
0x1: {  	s0 =	rddreg [dreg:$0x0]  }
0x2: {  	s1 =	rddreg [dreg:$0x1];
	s2 =	simm.s32 $0x0;
	s3 =	srdreg.scid  }
0x3: {  	s12 =	stileid.u32;
	s28 =	simm.s32 $0x80;
	s29 =	simm.s32 $0x1  }
0x4: {  	s30 =	simm.s32 $0x8;
	s31 =	simm.s32 $0x100;
	[smem:$0x7FF] =	sst s2  }
0x5: {  	s4 =	sadd.s32 $0x34C00, s0;
	s5 =	sadd.s32 $0x20C00, s0;
	s10 =	smul.u32 $0x50000, s12  }
0x6: {  	s3 =	sand.u32 $0x1, s3;
	s6 =	sadd.s32 $0x16C00, s0;
	s18 =	smul.u32 $0x280, s12  }
0x7: {  	_ =	strace $0x8000004A;
	s7 =	ssub.s32 $0x2, s3;
	s8 =	sshll.u32 s3, $0x7  }
0x8: {  	s9 =	sshrl.u32 s7, $0x1;
	s0 =	sadd.s32 s8, s0;
	s13 =	sshrl.u32 s10, $0x2  }
0x9: {  	s19 =	sadd.s32 $0x80, s18;
	s21 =	sadd.s32 $0x100, s18;
	s11 =	ssub.s32 s7, s9  }
0xa: {  	s7 =	smul.u32 $0x5000, s12;
	s0 =	sadd.s32 $0x2B4C00, s0;
	s8 =	sadd.s32 s13, s1  }
0xb: {  	s9 =	smul.u32 $0x50000, s3;
	s20 =	sshll.u32 s19, $0x7;
	s3 =	sshll.u32 s19, $0x5  }
0xc: {  	s22 =	sshll.u32 s21, $0x7;
	s19 =	sadd.s32 $0x180, s18;
	s15 =	smax.u32 s11, $0x1  }
0xd: {  	s16 =	sadd.s32 $0x4000, s8;
	s17 =	sadd.s32 $0x8000, s8;
	s10 =	sadd.s32 s20, s1  }
0xe: {  	s11 =	sshll.u32 s21, $0x5;
	s23 =	sshll.u32 s19, $0x7;
	[dreg:$0x4] =	wrdreg s15  }
0xf: {  	s20 =	sadd.s32 $0x200, s18;
	s24 =	sshll.u32 s19, $0x5;
	[dreg:$0x5] =	wrdreg s16  }
0x10: {  	s21 =	simm.s32 $0x2;
	s14 =	sadd.s32 s7, s0;
	[dreg:$0x6] =	wrdreg s17  }
0x11: {  	s15 =	sadd.s32 $0x10000, s8;
	s16 =	sadd.s32 s3, s0;
	s3 =	sadd.s32 s22, s1  }
0x12: {  	s17 =	sadd.s32 s11, s0;
	s11 =	sadd.s32 s23, s1;
	s25 =	sshll.u32 s20, $0x7  }
0x13: {  	s18 =	sadd.s32 s24, s0;
	s26 =	sshll.u32 s20, $0x5;
	s20 =	simm.s32 $0x1000  }
0x14: {  	s22 =	sshrl.u32 s10, $0x3;
	[dreg:$0x3] =	wrdreg s14;
	s14 =	sadd.s32 $0xC000, s8  }
0x15: {  	s25 =	sadd.s32 s25, s1;
	s19 =	sadd.s32 s26, s0;
	s23 =	sshrl.u32 s3, $0x3  }
0x16: {  	v0 =	vimm.f32 $0.0e+00;
	s24 =	sshrl.u32 s11, $0x3;
	s26 =	simm.s32 $0x800;
	s25 =	sshrl.u32 s25, $0x3  }
.LBB2_1:
0x17: {  	s0 =	simm.s32 $0x0;
	s3 =	simm.s32 $0x200  }
.LBB2_2:
0x18: {  	p0 =	sne.s32 s3, $0xFE00;
	[tilespmem:s0+$0x1070] =	vst v0  }
0x19: {  	[tilespmem:s0+$0x1000] =	vst v0  }
0x1a: {  	[tilespmem:s0+$0x1010] =	vst v0  }
.Ltmp0:
0x1b: {  	[tilespmem:s0+$0x1020] =	vst v0;
	(pc) =	sbr.rel @p0 .LBB2_2-.Ltmp0, $4  }
0x1c: {  	[tilespmem:s0+$0x1030] =	vst v0  }
0x1d: {  	[tilespmem:s0+$0x1040] =	vst v0  }
0x1e: {  	[tilespmem:s0+$0x1050] =	vst v0  }
0x1f: {  	[tilespmem:s0+$0x1060] =	vst v0;
	s0 =	sshra.s32 s3, $0x2;
	s3 =	sadd.s32 $0x200, s3  }
0x20: {  	[tilespmem:s0+$0x1070] =	vst v0  }
0x21: {  	[tilespmem:s0+$0x1000] =	vst v0  }
0x22: {  	[tilespmem:s0+$0x1010] =	vst v0  }
0x23: {  	[tilespmem:s0+$0x1020] =	vst v0  }
0x24: {  	[tilespmem:s0+$0x1030] =	vst v0  }
0x25: {  	[tilespmem:s0+$0x1040] =	vst v0  }
0x26: {  	[tilespmem:s0+$0x1050] =	vst v0  }
0x27: {  	[tilespmem:s0+$0x1060] =	vst v0  }
0x28: {  	[spmem:s8] =	stream.linear.scatter [tilespmem:s20], [sflag:$0x2], $0x4000, $0x38;
	[tilespmem:$0x19000] =	vst v63  }
0x29: {  	_ =	swait.ge [sflag:s21], $0x4000  }
0x2a: {  	[sflag:s21] =	ssyncset.done $0x0  }
0x2b: {  	s12 =	rddreg [dreg:$0x5];
	[sflag:s21] =	ssyncadd.s32 $0xFFFFC000  }
0x2c: {  	[spmem:s12] =	stream.linear.scatter [tilespmem:s20], [sflag:$0x2], $0x4000, $0x38;
	[tilespmem:$0x19000] =	vst v63  }
0x2d: {  	_ =	swait.ge [sflag:s21], $0x4000  }
0x2e: {  	[sflag:s21] =	ssyncset.done $0x0  }
0x2f: {  	s13 =	rddreg [dreg:$0x6];
	[sflag:s21] =	ssyncadd.s32 $0xFFFFC000  }
0x30: {  	[spmem:s13] =	stream.linear.scatter [tilespmem:s20], [sflag:$0x2], $0x4000, $0x38;
	[tilespmem:$0x19000] =	vst v63  }
0x31: {  	_ =	swait.ge [sflag:s21], $0x4000  }
0x32: {  	[sflag:s21] =	ssyncset.done $0x0  }
0x33: {  	[sflag:s21] =	ssyncadd.s32 $0xFFFFC000  }
0x34: {  	[spmem:s14] =	stream.linear.scatter [tilespmem:s20], [sflag:$0x2], $0x4000, $0x38;
	[tilespmem:$0x19000] =	vst v63  }
0x35: {  	_ =	swait.ge [sflag:s21], $0x4000  }
0x36: {  	[sflag:s21] =	ssyncset.done $0x0  }
0x37: {  	[sflag:s21] =	ssyncadd.s32 $0xFFFFC000  }
0x38: {  	[spmem:s15] =	stream.linear.scatter [tilespmem:s20], [sflag:$0x2], $0x4000, $0x38;
	[tilespmem:$0x19000] =	vst v63  }
0x39: {  	_ =	swait.ge [sflag:s21], $0x4000  }
0x3a: {  	[sflag:s21] =	ssyncset.done $0x0  }
0x3b: {  	[sflag:s21] =	ssyncadd.s32 $0xFFFFC000  }
0x3c: {  	s0 =	simm.s32 $0x0;
	s3 =	simm.s32 $0x0;
	[bflag:$0x0] =	sbarrier.arrive $0xFFFF  }
.LBB2_4:
0x3d: {  	s10 =	sshll.u32 s3, $0xB  }
0x3e: {  	s10 =	sadd.s32 s7, s10  }
0x3f: {  	s11 =	sadd.s32 s9, s10  }
0x40: {  	s11 =	sshrl.u32 s11, $0x3  }
0x41: {  	s11 =	sadd.s32 s5, s11  }
0x42: {  	[tilespmem:s0], [sflag:$0x2] =	stream.linear.gather [hbm4b:s11+s0], $0x800, $0x38;
	[tilespmem:$0x19000] =	vst v63  }
0x43: {  	_ =	swait.ge [sflag:s21], $0x800  }
0x44: {  	s10 =	sshrl.u32 s10, $0x3;
	[sflag:s21] =	ssyncset.done $0x0  }
0x45: {  	s10 =	sadd.s32 s6, s10;
	[sflag:s21] =	ssyncadd.s32 $0xFFFFF800  }
0x46: {  	[tilespmem:s26], [sflag:$0x2] =	stream.linear.gather [hbm4b:s10+s0], $0x800, $0x38;
	[tilespmem:$0x19000] =	vst v63  }
0x47: {  	_ =	swait.ge [sflag:s21], $0x800  }
0x48: {  	[sflag:s21] =	ssyncset.done $0x0  }
0x49: {  	s12 =	simm.s32 $0x0;
	[sflag:s21] =	ssyncadd.s32 $0xFFFFF800  }
0x4a: {  	[tilespmem:s20], [sflag:$0x1] =	stream.indirect.gather [hbm4b:s4+s28], $0x80, s12, s28, $0xb8;
	[tilespmem:$0x19000] =	vst v63  }
0x4b: {  	_ =	swait.ge [sflag:s29], $0x4000  }
0x4c: {  	[sflag:s29] =	ssyncset.done $0x0  }
0x4d: {  	s13 =	simm.s32 $0x800;
	[sflag:s29] =	ssyncadd.s32 $0xFFFFC000  }
0x4e: {  	[spmem:s1] =	stream.indirect.scatter.add.f32 [tilespmem:s20], [sflag:$0x2], $0x80, s13, s28, $0xb8;
	[tilespmem:$0x19000] =	vst v63  }
0x4f: {  	_ =	swait.ge [sflag:s21], $0x4000  }
0x50: {  	s11 =	simm.s32 $0x400;
	s10 =	simm.s32 $0x200;
	[sflag:s21] =	ssyncset.done $0x0  }
.LBB2_5:
0x51: {  	s12 =	sshra.s32 s10, $0x2  }
0x52: {  	[sflag:s21] =	ssyncadd.s32 $0xFFFFC000;
	s10 =	smov.u32 s11;
	s13 =	sadd.s32 $0x200, s11  }
0x53: {  	[tilespmem:s20], [sflag:$0x1] =	stream.indirect.gather [hbm4b:s4+s28], $0x80, s12, s28, $0xb8;
	[tilespmem:$0x19000] =	vst v63  }
0x54: {  	p0 =	sne.s32 s11, $0x1E00;
	_ =	swait.ge [sflag:s29], $0x4000  }
.Ltmp1:
0x55: {  	[sflag:s29] =	ssyncset.done $0x0;
	(pc) =	sbr.rel @p0 .LBB2_5-.Ltmp1, $4  }
0x56: {  	s11 =	sadd.s32 $0x800, s12;
	[sflag:s29] =	ssyncadd.s32 $0xFFFFC000  }
0x57: {  	[spmem:s1] =	stream.indirect.scatter.add.f32 [tilespmem:s20], [sflag:$0x2], $0x80, s11, s28, $0xb8;
	[tilespmem:$0x19000] =	vst v63  }
0x58: {  	_ =	swait.ge [sflag:s21], $0x4000  }
0x59: {  	s11 =	smov.u32 s13;
	[sflag:s21] =	ssyncset.done $0x0  }
0x5a: {  	s10 =	sshra.s32 s10, $0x2;
	[sflag:s21] =	ssyncadd.s32 $0xFFFFC000  }
0x5b: {  	[tilespmem:s20], [sflag:$0x1] =	stream.indirect.gather [hbm4b:s4+s28], $0x80, s10, s28, $0xb8;
	[tilespmem:$0x19000] =	vst v63  }
0x5c: {  	s3 =	sadd.s32 $0x1, s3;
	_ =	swait.ge [sflag:s29], $0x4000  }
0x5d: {  	p0 =	sne.s32 s3, $0xA;
	[sflag:s29] =	ssyncset.done $0x0  }
.Ltmp2:
0x5e: {  	s10 =	sadd.s32 $0x800, s10;
	[sflag:s29] =	ssyncadd.s32 $0xFFFFC000;
	(pc) =	sbr.rel @p0 .LBB2_4-.Ltmp2, $4  }
0x5f: {  	[spmem:s1] =	stream.indirect.scatter.add.f32 [tilespmem:s20], [sflag:$0x2], $0x80, s10, s28, $0xb8;
	[tilespmem:$0x19000] =	vst v63  }
0x60: {  	_ =	swait.ge [sflag:s21], $0x4000  }
0x61: {  	[sflag:s21] =	ssyncset.done $0x0  }
0x62: {  	[sflag:s21] =	ssyncadd.s32 $0xFFFFC000  }
0x63: {  	s0 =	stileid.u32  }
0x64: {  	[bflag:$0x0] =	sbarrier.arrive $0xFFFF;
	s0 =	sshll.u32 s0, $0x6  }
0x65: {  	s3 =	sshrl.u32 s8, $0x3;
	s10 =	rddreg [dreg:$0x3];
	s0 =	sor.u32 $0x1C02, s0  }
0x66: {  	[hbm:s10@s31], [sflag:s0] =	dma.strided [spmem:s3@s28], $0x800, s30, $0x10   }
0x67: {  	_ =	swait.ge [sflag:s21], $0x800  }
0x68: {  	[sflag:s21] =	ssyncset.done $0x0  }
0x69: {  	[sflag:s21] =	ssyncadd.s32 $0xFFFFF800  }
0x6a: {  	[hbm:s16@s31], [sflag:s0] =	dma.strided [spmem:s22@s28], $0x800, s30, $0x10   }
0x6b: {  	_ =	swait.ge [sflag:s21], $0x800  }
0x6c: {  	[sflag:s21] =	ssyncset.done $0x0  }
0x6d: {  	[sflag:s21] =	ssyncadd.s32 $0xFFFFF800  }
0x6e: {  	[hbm:s17@s31], [sflag:s0] =	dma.strided [spmem:s23@s28], $0x800, s30, $0x10   }
0x6f: {  	_ =	swait.ge [sflag:s21], $0x800  }
0x70: {  	[sflag:s21] =	ssyncset.done $0x0  }
0x71: {  	[sflag:s21] =	ssyncadd.s32 $0xFFFFF800  }
0x72: {  	[hbm:s18@s31], [sflag:s0] =	dma.strided [spmem:s24@s28], $0x800, s30, $0x10   }
0x73: {  	_ =	swait.ge [sflag:s21], $0x800  }
0x74: {  	[sflag:s21] =	ssyncset.done $0x0  }
0x75: {  	[sflag:s21] =	ssyncadd.s32 $0xFFFFF800  }
0x76: {  	[hbm:s19@s31], [sflag:s0] =	dma.strided [spmem:s25@s28], $0x800, s30, $0x10   }
0x77: {  	_ =	swait.ge [sflag:s21], $0x800  }
0x78: {  	s2 =	sadd.s32 $0x1, s2;
	s13 =	rddreg [dreg:$0x4]  }
0x79: {  	p0 =	sne.s32 s2, s13  }
.Ltmp3:
0x7a: {  	_ = 	snop;
	(pc) =	sbr.rel @p0 .LBB2_1-.Ltmp3, $3  }
0x7b: {  	_ =	sdelay $0x1  }
0x7c: {  	[sflag:s21] =	ssyncset.done $0x0  }
0x7d: {  	[sflag:s21] =	ssyncadd.s32 $0xFFFFF800  }
0x7e: {  	_ =	sfence.sel $0x180000  }
0x7f: {  	[bflag:$0x0] =	sbarrier.arrive $0xFFFF  }
0x80: {  	_ =	strace $0x9000004A  }
0x81: {  	s0 =	stileid.u32;
	[bflag:$0x2] =	sbarrier.arrive $0xFFFF  }
0x82: {  	p0 =	sne.s32 s0, $0x0;
	s0 =	rddreg [dreg:$0x2]  }
0x83: {  	s0 =	sadd.s32 @!p0 $0x100000, s0  }
0x84: {  	[sflag:s0] =	ssyncadd.tile.s32 @!p0 $0x1;
	_ =	shalt  }
.Lfunc_end2:
_tile_overlayer_lowered:
.L_overlay_start_2:
0x85: {  	(tag) =	ssettag $0x2  }
0x86: {  	s0 =	rddreg [dreg:$0x0];
	s2 =	stileid.u32  }
0x87: {  	s1 =	rddreg [dreg:$0x1];
	p0 =	sne.s32 s2, $0x0  }
0x88: {  	s3 =	rddreg [dreg:$0x2];
	[bflag:$0x3] =	sbarrier.arrive $0xFFFF;
	s2 =	simm.s32 @!p0 $0x1C02  }
0x89: {  	[timem:s3], [sflag:s2] =	dma.local @!p0 [hbm:s0], s1  }
0x8a: {  	s0 =	simm.s32 @!p0 $0x2  }
0x8b: {  	_ =	swait.ge @!p0 [sflag:s0], s1  }
0x8c: {  	s1 =	ssub.s32 @!p0 $0x0, s1;
	[sflag:s0] =	ssyncset.done @!p0 $0x0  }
0x8d: {  	[sflag:s0] =	ssyncadd.s32 @!p0 s1  }
0x8e: {  	[bflag:$0x3] =	sbarrier.arrive $0xFFFF  }
0x8f: {  	_ =	shalt  }

// kernel: kernel.16.cloned.1.call-start
scs
__scs_entry_jumppad:
0x0: {  	(pc) =	sbr.rel $0x88, $3  }
0x1: {  	(tag) =	ssettag $0x0;
	lr =	simm.s32 $0x1  }
0x2: {  	[smem:$0x3F93] =	sst lr;
	_ =	strace $0xD0000000  }
0x3: {  	_ = 	snop  }
0x4: {  	_ = 	snop  }
0x5: {  	_ = 	snop  }
0x6: {  	_ = 	snop  }
0x7: {  	_ = 	snop  }
__scs_overlays_trampoline_lowered:
0x8: {  	[smem:$0x3FA2] =	sst s0  }
0x9: {  	[smem:$0x3FA3] =	sst s1  }
0xa: {  	[smem:$0x3FA4] =	sst s2  }
0xb: {  	[smem:$0x3FA5] =	sst s3  }
0xc: {  	[smem:$0x3FA6] =	sst s4  }
0xd: {  	[smem:$0x3FA7] =	sst s5  }
0xe: {  	[smem:$0x3FA8] =	sst s6  }
0xf: {  	[smem:$0x3FA9] =	sst s7  }
0x10: {  	[smem:$0x3FAA] =	sst s8  }
0x11: {  	[smem:$0x3FAB] =	sst s9;
	s0 =	simm.s32 @!p0 $0x0  }
0x12: {  	s1 =	sld [smem:$0x3F91];
	s0 =	simm.s32 @p0 $0x1  }
0x13: {  	[smem:$0x3FAC] =	sst s0;
	s0 =	simm.s32 @!p1 $0x0  }
0x14: {  	s2 =	sld [smem:$0x3F90];
	s0 =	simm.s32 @p1 $0x1  }
0x15: {  	[smem:$0x3FAD] =	sst s0;
	s0 =	simm.s32 @!p2 $0x0  }
0x16: {  	s3 =	sld [smem:$0x3FDB];
	s0 =	simm.s32 @p2 $0x1  }
0x17: {  	s4 =	simm.s32 $0x1BF5;
	[smem:$0x3FAF] =	sst s0  }
0x18: {  	s0 =	sld [smem:$0x3F92];
	_ =	swait.ge [sflag:s4], $0x0  }
0x19: {  	s7 =	sld [smem:$0x3F93]  }
0x1a: {  	s8 =	sadd.s32 $0xFFFFE003, lr  }
0x1b: {  	s9 =	sadd.s32 $0xFFFFFEF7, lr;
	s5 =	simm.s32 $0xFFFFFFFF;
	p2 =	slt.u32 s8, $0xFFFFF086  }
0x1c: {  	p1 =	slt.u32 s9, $0xF7A;
	s5 =	simm.s32 @!p2 $0x0  }
0x1d: {  	s5 =	simm.s32 @p1 $0x1;
	p0 =	seq.s32 s7, s2  }
0x1e: {  	s7 =	smul.u32 @!p0 $0xF7A, s2;
	p2 =	seq.s32 @!p0 s5, $0x0  }
0x1f: {  	s9 =	smul.u32 $0xF7A, s1;
	s8 =	simm.s32 @!p0 $0x1BF5;
	p2 =	por !p2, p0  }
0x20: {  	[sflag:s8] =	ssyncset.s32 @!p0 $0xFFFFF086;
	s6 =	sadd.s32 @!p0 s3, s7;
	s7 =	simm.s32 @!p0 $0x108  }
0x21: {  	s3 =	sadd.s32 s3, s9;
	s6 =	sadd.s32 @!p0 $0x88, s6;
	s7 =	simm.s32 @p2 $0x1082  }
0x22: {  	[simem:s7], [sflag:s8] =	dma.local @!p0 [hbm:s6], $0xF7A  }
0x23: {  	s9 =	sor.u32 $0xD0000000, s2;
	s6 =	simm.s32 $0x108;
	_ =	swait.ge @!p0 [sflag:s8], $0x0  }
0x24: {  	s3 =	sadd.s32 $0x88, s3;
	s6 =	simm.s32 @!p1 $0x1082;
	[sflag:s4] =	ssyncset.s32 $0xFFFFF086  }
0x25: {  	[simem:s6], [sflag:s4] =	dma.local [hbm:s3], $0xF7A  }
0x26: {  	[smem:$0x3F93] =	sst s1;
	(tag) =	ssettag s2;
	_ =	strace s9  }
0x27: {  	s1 =	sld [smem:$0x3FA3]  }
0x28: {  	s2 =	sld [smem:$0x3FA4]  }
0x29: {  	s4 =	sld [smem:$0x3FA6]  }
0x2a: {  	p0 =	seq.s32 s5, $0x0;
	s5 =	sld [smem:$0x3FA7]  }
0x2b: {  	s6 =	sld [smem:$0x3FA8]  }
0x2c: {  	s7 =	sld [smem:$0x3FA9]  }
0x2d: {  	s3 =	simm.s32 $0x108;
	s8 =	sld [smem:$0x3FAA]  }
0x2e: {  	s3 =	simm.s32 @!p0 $0x1082;
	s9 =	sld [smem:$0x3FAB]  }
0x2f: {  	lr =	sadd.s32 s0, s3;
	s0 =	sld [smem:$0x3FA2]  }
0x30: {  	s3 =	sld [smem:$0x3FA5]  }
0x31: {  	[smem:$0x3FAE] =	sst s10  }
0x32: {  	s10 =	sld [smem:$0x3FAC];
	_ =	sdelay $0x3  }
0x33: {  	p0 =	seq.s32 s10, $0x1;
	s10 =	sld [smem:$0x3FAE];
	_ =	sdelay $0x3  }
0x34: {  	[smem:$0x3FAE] =	sst s10  }
0x35: {  	s10 =	sld [smem:$0x3FAD];
	_ =	sdelay $0x3  }
0x36: {  	p1 =	seq.s32 s10, $0x1;
	s10 =	sld [smem:$0x3FAE];
	_ =	sdelay $0x3  }
0x37: {  	[smem:$0x3FAE] =	sst s10  }
0x38: {  	s10 =	sld [smem:$0x3FAF]  }
0x39: {  	_ = 	snop;
	(pc) =	sbr.ind lr, $3  }
0x3a: {  	_ = 	snop  }
0x3b: {  	_ = 	snop  }
0x3c: {  	p2 =	seq.s32 s10, $0x1;
	s10 =	sld [smem:$0x3FAE]  }
0x3d: {  	_ =	shalt  }
0x3e: {  	_ =	shalt  }
0x3f: {  	_ =	shalt  }
0x40: {  	_ =	shalt  }
0x41: {  	_ =	shalt  }
0x42: {  	_ =	shalt  }
0x43: {  	_ =	shalt  }
0x44: {  	_ =	shalt  }
0x45: {  	_ =	shalt  }
0x46: {  	_ =	shalt  }
0x47: {  	_ =	shalt  }
0x48: {  	_ =	shalt  }
0x49: {  	_ =	shalt  }
0x4a: {  	_ =	shalt  }
0x4b: {  	_ =	shalt  }
0x4c: {  	_ =	shalt  }
0x4d: {  	_ =	shalt  }
0x4e: {  	_ =	shalt  }
0x4f: {  	_ =	shalt  }
0x50: {  	_ =	shalt  }
0x51: {  	_ =	shalt  }
0x52: {  	_ =	shalt  }
0x53: {  	_ =	shalt  }
0x54: {  	_ =	shalt  }
0x55: {  	_ =	shalt  }
0x56: {  	_ =	shalt  }
0x57: {  	_ =	shalt  }
0x58: {  	_ =	shalt  }
0x59: {  	_ =	shalt  }
0x5a: {  	_ =	shalt  }
0x5b: {  	_ =	shalt  }
0x5c: {  	_ =	shalt  }
0x5d: {  	_ =	shalt  }
0x5e: {  	_ =	shalt  }
0x5f: {  	_ =	shalt  }
0x60: {  	_ =	shalt  }
0x61: {  	_ =	shalt  }
0x62: {  	_ =	shalt  }
0x63: {  	_ =	shalt  }
0x64: {  	_ =	shalt  }
0x65: {  	_ =	shalt  }
0x66: {  	_ =	shalt  }
0x67: {  	_ =	shalt  }
0x68: {  	_ =	shalt  }
0x69: {  	_ =	shalt  }
0x6a: {  	_ =	shalt  }
0x6b: {  	_ =	shalt  }
0x6c: {  	_ =	shalt  }
0x6d: {  	_ =	shalt  }
0x6e: {  	_ =	shalt  }
0x6f: {  	_ =	shalt  }
0x70: {  	_ =	shalt  }
0x71: {  	_ =	shalt  }
0x72: {  	_ =	shalt  }
0x73: {  	_ =	shalt  }
0x74: {  	_ =	shalt  }
0x75: {  	_ =	shalt  }
0x76: {  	_ =	shalt  }
0x77: {  	_ =	shalt  }
0x78: {  	_ =	shalt  }
0x79: {  	_ =	shalt  }
0x7a: {  	_ =	shalt  }
0x7b: {  	_ =	shalt  }
0x7c: {  	_ =	shalt  }
0x7d: {  	_ =	shalt  }
0x7e: {  	_ =	shalt  }
0x7f: {  	_ =	shalt  }
0x80: {  	_ =	shalt  }
0x81: {  	_ =	shalt  }
0x82: {  	_ =	shalt  }
0x83: {  	_ =	shalt  }
0x84: {  	_ =	shalt  }
0x85: {  	_ =	shalt  }
0x86: {  	_ =	shalt  }
0x87: {  	_ =	shalt  }
.Lfunc_end0:
.L_simem_size_0:
called_computation.2_lowered:
.L_overlay_start_0:
0x88: {  	s2 =	sld [smem:$0x3FD9]  }
0x89: {  	s3 =	sld [smem:$0x3FFE];
	_ =	sdelay $0x1  }
0x8a: {  	s1 =	srdreg.scid  }
0x8b: {  	s0 =	sand.u32 $0x1, s1  }
0x8c: {  	s16 =	sshll.u32 s0, $0xA;
	s2 =	sadd.s32 s3, s2  }
0x8d: {  	s2 =	sadd.s32 s2, s16  }
0x8e: {  	[smem:$0x3FBA] =	sst s2  }
0x8f: {  	_ = 	snop  }
0x90: {  	(tm) =	ssettm $0x1  }
0x91: {  	s17 =	sld [smem:$0x3FFB];
	_ =	sdelay $0x3  }
0x92: {  	_ =	strace s17  }
0x93: {  	s2 =	sld [smem:$0x3FFC];
	_ =	sdelay $0x3  }
0x94: {  	_ =	strace s2  }
0x95: {  	s2 =	sld [smem:$0x3FFD];
	_ =	sdelay $0x3  }
0x96: {  	_ =	strace s2  }
0x97: {  	_ =	strace $0x8FFFFFFF  }
0x98: {  	s18 =	sld [smem:$0x3FDB];
	_ =	sdelay $0x1  }
0x99: {  	s19 =	simm.s32 $_scs_section_size  }
0x9a: {  	s4 =	simm.s32 $_size__tile_overlayer_lowered;
	s5 =	simm.s32 $_tile_overlayer_lowered  }
0x9b: {  	s22 =	simm.s32 $0x1BFF;
	s21 =	sshll.u32 s5, $0x1;
	s2 =	sadd.s32 s19, s18  }
0x9c: {  	s6 =	simm.s32 $0x0;
	s20 =	sshll.u32 s4, $0x1;
	s4 =	sadd.s32 s21, s2  }
0x9d: {  	[timem:s6], [sflag:s22] =	dma.local [hbm:s4], s20  }
0x9e: {  	_ =	swait.ge [sflag:s22], s20  }
0x9f: {  	s3 =	ssub.s32 $0x0, s20;
	[sflag:s22] =	ssyncset.done $0x0  }
0xa0: {  	[sflag:s22] =	ssyncadd.s32 s3;
	_ =	sdelay $0x1  }
0xa1: {  	s23 =	simm.s32 $0x1B8B  }
0xa2: {  	_ =	swait.ge [sflag:s23], $0x1  }
0xa3: {  	[sflag:s23] =	ssyncset.done $0x0  }
0xa4: {  	s25 =	simm.s32 $0x1B8E;
	s24 =	sld [smem:$0x3FFE];
	[sflag:s23] =	ssyncadd.s32 $0xFFFFFFFF  }
0xa5: {  	s26 =	simm.s32 $execute0_lowered;
	[smem:$0x3FD2] =	sst s25  }
0xa6: {  	s4 =	sshll.u32 s26, $0x1;
	_ =	strace $0x8000004C;
	[dreg:$0x1] =	wrdreg $0xFFFFFFFF  }
0xa7: {  	s28 =	simm.s32 $_size_execute0_lowered;
	s2 =	sadd.s32 s2, s4;
	[dreg:$0x0] =	wrdreg $0x0  }
0xa8: {  	s4 =	sshll.u32 s28, $0x1;
	[dreg:$0x2] =	wrdreg s2  }
0xa9: {  	[dreg:$0x3] =	wrdreg s4  }
0xaa: {  	[dreg:$0x4] =	wrdreg $0xC0  }
0xab: {  	_ =	task [dreg:s6], $0x5FFFF  }
0xac: {  	[dreg:$0x1] =	wrdreg $0xFFFFFFFF  }
0xad: {  	[dreg:$0x0] =	wrdreg $0x60  }
0xae: {  	[dreg:$0x2] =	wrdreg s24  }
0xaf: {  	[dreg:$0x3] =	wrdreg $0x50000  }
0xb0: {  	[dreg:$0x4] =	wrdreg $0x9  }
0xb1: {  	_ =	task.clear_ibuf [dreg:s6], $0x5FFFF;
	_ =	strace $0x9000004C  }
0xb2: {  	s29 =	simm.s32 $0x9;
	_ =	strace $0x8000004E  }
0xb3: {  	_ =	swait.ge [sflag:s29], $0x1  }
0xb4: {  	[sflag:s29] =	ssyncadd.s32 $0xFFFFFFFF  }
0xb5: {  	_ =	strace $0x9000004E  }
0xb6: {  	_ =	sfence  }
0xb7: {  	s30 =	sld [smem:$0x0];
	_ =	sdelay $0x2  }
0xb8: {  	s31 =	sshll.u32 s1, $0xD;
	s1 =	sshrl.u32 s1, $0x2  }
0xb9: {  	s3 =	sand.u32 $0x4000, s31;
	s1 =	sadd.s32 s1, s30  }
0xba: {  	s0 =	sor.u32 s3, s0;
	s1 =	sshll.u32 s1, $0x11  }
0xbb: {  	s0 =	sor.u32 s1, s0  }
0xbc: {  	s0 =	sadd.s32 $0x8F2B, s0  }
0xbd: {  	[sflag:s0] =	ssyncadd.remote.s32 $0x1  }
0xbe: {  	_ =	sfence.sel $0xFFFF  }
0xbf: {  	[dreg:$0x0] =	wrdreg $0xFFFFFFFF;
	(pc) =	sbr.abs _section_cstart, $3  }
0xc0: {  	[dreg:$0x1] =	wrdreg $0xFFFFFFFF  }
0xc1: {  	_ =	task.clear_ibuf [dreg:s6], $0x2FFFF;
	_ =	strace $0x9FFFFFFF  }
0xc2: {  	(tm) =	ssettm $0x7FFFFFFF  }
0xc3: {  	_ =	shalt  }
tec
execute0_lowered:
.L_overlay_start_1:
0x0: {  	(tag) =	ssettag $0x1  }
0x1: {  	s0 =	rddreg [dreg:$0x0]  }
0x2: {  	s1 =	rddreg [dreg:$0x1]  }
0x3: {  	s3 =	simm.s32 $0x0;
	s2 =	srdreg.scid;
	s21 =	stileid.u32  }
0x4: {  	s28 =	simm.s32 $0x1;
	[smem:$0x7FF] =	sst s3;
	s9 =	smul.u32 $0x50000, s21  }
0x5: {  	s7 =	sand.u32 $0x1, s2;
	s4 =	sadd.s32 $0x34C00, s0;
	s16 =	smul.u32 $0x14000, s21  }
0x6: {  	s5 =	sadd.s32 $0x20C00, s0;
	s6 =	sadd.s32 $0x16C00, s0;
	s8 =	smul.u32 $0x500, s7  }
0x7: {  	s0 =	sadd.s32 $0x174C00, s0;
	s17 =	smul.u32 $0x140000, s7;
	s7 =	ssub.s32 $0x2, s7  }
0x8: {  	s11 =	smul.u32 $0x50, s21;
	_ =	strace $0x8000004D;
	s10 =	sshrl.u32 s7, $0x1  }
0x9: {  	s22 =	sshrl.u32 s9, $0x2;
	s18 =	sadd.s32 $0x4000, s16;
	s19 =	sadd.s32 $0x8000, s16  }
0xa: {  	s20 =	sadd.s32 $0xC000, s16;
	s10 =	ssub.s32 s7, s10;
	s23 =	sadd.s32 s17, s16  }
0xb: {  	s8 =	sadd.s32 s11, s8;
	s7 =	sadd.s32 s22, s1;
	s14 =	sadd.s32 s17, s18  }
0xc: {  	s22 =	sadd.s32 s18, s1;
	s25 =	sadd.s32 s17, s19;
	s21 =	sadd.s32 s17, s20  }
0xd: {  	s9 =	sshrl.u32 s23, $0x3;
	s8 =	sshll.u32 s8, $0x4;
	s10 =	smax.u32 s10, $0x1  }
0xe: {  	s11 =	sadd.s32 $0x4000, s7;
	s12 =	sadd.s32 $0x8000, s7;
	s13 =	sadd.s32 $0xC000, s7  }
0xf: {  	s15 =	sshrl.u32 s14, $0x3;
	s14 =	sadd.s32 $0x10000, s7;
	s18 =	sshrl.u32 s25, $0x3  }
0x10: {  	s23 =	sadd.s32 $0x10000, s16;
	s26 =	sshrl.u32 s21, $0x3;
	s25 =	sadd.s32 s20, s1  }
0x11: {  	s20 =	simm.s32 $0x2;
	s21 =	simm.s32 $0x800;
	s22 =	sshrl.u32 s22, $0x3  }
0x12: {  	s24 =	sadd.s32 s0, s9;
	s15 =	sadd.s32 s0, s15;
	s16 =	sadd.s32 s0, s18  }
0x13: {  	s29 =	sadd.s32 s17, s23;
	s17 =	sadd.s32 s0, s26;
	s31 =	sadd.s32 s23, s1  }
0x14: {  	s26 =	simm.s32 $0x80;
	[dreg:$0x3] =	wrdreg s24;
	s30 =	sshrl.u32 s29, $0x3  }
0x15: {  	s24 =	sadd.s32 s19, s1;
	s19 =	simm.s32 $0x1000;
	s18 =	sadd.s32 s0, s30  }
0x16: {  	v0 =	vimm.f32 $0.0e+00;
	s23 =	sshrl.u32 s24, $0x3;
	s24 =	sshrl.u32 s25, $0x3;
	s25 =	sshrl.u32 s31, $0x3  }
.LBB2_1:
0x17: {  	s29 =	simm.s32 $0x0;
	s30 =	simm.s32 $0x200  }
.LBB2_2:
0x18: {  	p0 =	sne.s32 s30, $0xFE00;
	[tilespmem:s29+$0x1070] =	vst v0  }
0x19: {  	[tilespmem:s29+$0x1000] =	vst v0  }
0x1a: {  	[tilespmem:s29+$0x1010] =	vst v0  }
.Ltmp0:
0x1b: {  	[tilespmem:s29+$0x1020] =	vst v0;
	(pc) =	sbr.rel @p0 .LBB2_2-.Ltmp0, $4  }
0x1c: {  	[tilespmem:s29+$0x1030] =	vst v0  }
0x1d: {  	[tilespmem:s29+$0x1040] =	vst v0  }
0x1e: {  	[tilespmem:s29+$0x1050] =	vst v0  }
0x1f: {  	[tilespmem:s29+$0x1060] =	vst v0;
	s29 =	sshra.s32 s30, $0x2;
	s30 =	sadd.s32 $0x200, s30  }
0x20: {  	[tilespmem:s29+$0x1070] =	vst v0  }
0x21: {  	[tilespmem:s29+$0x1000] =	vst v0  }
0x22: {  	[tilespmem:s29+$0x1010] =	vst v0  }
0x23: {  	[tilespmem:s29+$0x1020] =	vst v0  }
0x24: {  	[tilespmem:s29+$0x1030] =	vst v0  }
0x25: {  	[tilespmem:s29+$0x1040] =	vst v0  }
0x26: {  	[tilespmem:s29+$0x1050] =	vst v0  }
0x27: {  	[tilespmem:s29+$0x1060] =	vst v0  }
0x28: {  	[spmem:s7] =	stream.linear.scatter [tilespmem:s19], [sflag:$0x2], $0x4000, $0x38;
	[tilespmem:$0x19000] =	vst v63  }
0x29: {  	_ =	swait.ge [sflag:s20], $0x4000  }
0x2a: {  	[sflag:s20] =	ssyncset.done $0x0  }
0x2b: {  	[sflag:s20] =	ssyncadd.s32 $0xFFFFC000  }
0x2c: {  	[spmem:s11] =	stream.linear.scatter [tilespmem:s19], [sflag:$0x2], $0x4000, $0x38;
	[tilespmem:$0x19000] =	vst v63  }
0x2d: {  	_ =	swait.ge [sflag:s20], $0x4000  }
0x2e: {  	[sflag:s20] =	ssyncset.done $0x0  }
0x2f: {  	[sflag:s20] =	ssyncadd.s32 $0xFFFFC000  }
0x30: {  	[spmem:s12] =	stream.linear.scatter [tilespmem:s19], [sflag:$0x2], $0x4000, $0x38;
	[tilespmem:$0x19000] =	vst v63  }
0x31: {  	_ =	swait.ge [sflag:s20], $0x4000  }
0x32: {  	[sflag:s20] =	ssyncset.done $0x0  }
0x33: {  	[sflag:s20] =	ssyncadd.s32 $0xFFFFC000  }
0x34: {  	[spmem:s13] =	stream.linear.scatter [tilespmem:s19], [sflag:$0x2], $0x4000, $0x38;
	[tilespmem:$0x19000] =	vst v63  }
0x35: {  	_ =	swait.ge [sflag:s20], $0x4000  }
0x36: {  	[sflag:s20] =	ssyncset.done $0x0  }
0x37: {  	[sflag:s20] =	ssyncadd.s32 $0xFFFFC000  }
0x38: {  	[spmem:s14] =	stream.linear.scatter [tilespmem:s19], [sflag:$0x2], $0x4000, $0x38;
	[tilespmem:$0x19000] =	vst v63  }
0x39: {  	_ =	swait.ge [sflag:s20], $0x4000  }
0x3a: {  	[sflag:s20] =	ssyncset.done $0x0  }
0x3b: {  	[sflag:s20] =	ssyncadd.s32 $0xFFFFC000  }
0x3c: {  	s29 =	simm.s32 $0x0;
	s30 =	simm.s32 $0x0;
	[bflag:$0x0] =	sbarrier.arrive $0xFFFF  }
.LBB2_4:
0x3d: {  	s0 =	sshll.u32 s30, $0x8  }
0x3e: {  	s0 =	sadd.s32 s8, s0  }
0x3f: {  	s31 =	sadd.s32 s5, s0  }
0x40: {  	[tilespmem:s29], [sflag:$0x2] =	stream.linear.gather [hbm4b:s31+s29], $0x800, $0x38;
	[tilespmem:$0x19000] =	vst v63  }
0x41: {  	_ =	swait.ge [sflag:s20], $0x800  }
0x42: {  	[sflag:s20] =	ssyncset.done $0x0  }
0x43: {  	s0 =	sadd.s32 s6, s0;
	[sflag:s20] =	ssyncadd.s32 $0xFFFFF800  }
0x44: {  	[tilespmem:s21], [sflag:$0x2] =	stream.linear.gather [hbm4b:s0+s29], $0x800, $0x38;
	[tilespmem:$0x19000] =	vst v63  }
0x45: {  	_ =	swait.ge [sflag:s20], $0x800  }
0x46: {  	[sflag:s20] =	ssyncset.done $0x0  }
0x47: {  	s2 =	simm.s32 $0x0;
	[sflag:s20] =	ssyncadd.s32 $0xFFFFF800  }
0x48: {  	[tilespmem:s19], [sflag:$0x1] =	stream.indirect.gather [hbm4b:s4+s26], $0x80, s2, s26, $0xb8;
	[tilespmem:$0x19000] =	vst v63  }
0x49: {  	_ =	swait.ge [sflag:s28], $0x4000  }
0x4a: {  	[sflag:s28] =	ssyncset.done $0x0  }
0x4b: {  	s9 =	simm.s32 $0x800;
	[sflag:s28] =	ssyncadd.s32 $0xFFFFC000  }
0x4c: {  	[spmem:s1] =	stream.indirect.scatter.add.f32 [tilespmem:s19], [sflag:$0x2], $0x80, s9, s26, $0xb8;
	[tilespmem:$0x19000] =	vst v63  }
0x4d: {  	_ =	swait.ge [sflag:s20], $0x4000  }
0x4e: {  	s31 =	simm.s32 $0x200;
	s0 =	simm.s32 $0x400;
	[sflag:s20] =	ssyncset.done $0x0  }
.LBB2_5:
0x4f: {  	s2 =	sshra.s32 s31, $0x2  }
0x50: {  	[sflag:s20] =	ssyncadd.s32 $0xFFFFC000;
	s31 =	smov.u32 s0;
	s9 =	sadd.s32 $0x200, s0  }
0x51: {  	[tilespmem:s19], [sflag:$0x1] =	stream.indirect.gather [hbm4b:s4+s26], $0x80, s2, s26, $0xb8;
	[tilespmem:$0x19000] =	vst v63  }
0x52: {  	p0 =	sne.s32 s0, $0x1E00;
	_ =	swait.ge [sflag:s28], $0x4000  }
.Ltmp1:
0x53: {  	[sflag:s28] =	ssyncset.done $0x0;
	(pc) =	sbr.rel @p0 .LBB2_5-.Ltmp1, $4  }
0x54: {  	s0 =	sadd.s32 $0x800, s2;
	[sflag:s28] =	ssyncadd.s32 $0xFFFFC000  }
0x55: {  	[spmem:s1] =	stream.indirect.scatter.add.f32 [tilespmem:s19], [sflag:$0x2], $0x80, s0, s26, $0xb8;
	[tilespmem:$0x19000] =	vst v63  }
0x56: {  	_ =	swait.ge [sflag:s20], $0x4000  }
0x57: {  	s0 =	smov.u32 s9;
	[sflag:s20] =	ssyncset.done $0x0  }
0x58: {  	s0 =	sshra.s32 s31, $0x2;
	[sflag:s20] =	ssyncadd.s32 $0xFFFFC000  }
0x59: {  	[tilespmem:s19], [sflag:$0x1] =	stream.indirect.gather [hbm4b:s4+s26], $0x80, s0, s26, $0xb8;
	[tilespmem:$0x19000] =	vst v63  }
0x5a: {  	s30 =	sadd.s32 $0x1, s30;
	_ =	swait.ge [sflag:s28], $0x4000  }
0x5b: {  	p0 =	sne.s32 s30, $0x5;
	[sflag:s28] =	ssyncset.done $0x0  }
.Ltmp2:
0x5c: {  	s0 =	sadd.s32 $0x800, s0;
	[sflag:s28] =	ssyncadd.s32 $0xFFFFC000;
	(pc) =	sbr.rel @p0 .LBB2_4-.Ltmp2, $4  }
0x5d: {  	[spmem:s1] =	stream.indirect.scatter.add.f32 [tilespmem:s19], [sflag:$0x2], $0x80, s0, s26, $0xb8;
	[tilespmem:$0x19000] =	vst v63  }
0x5e: {  	_ =	swait.ge [sflag:s20], $0x4000  }
0x5f: {  	[sflag:s20] =	ssyncset.done $0x0  }
0x60: {  	[sflag:s20] =	ssyncadd.s32 $0xFFFFC000  }
0x61: {  	s0 =	stileid.u32  }
0x62: {  	[bflag:$0x0] =	sbarrier.arrive $0xFFFF;
	s0 =	sshll.u32 s0, $0x6  }
0x63: {  	s2 =	sshrl.u32 s7, $0x3;
	s9 =	rddreg [dreg:$0x3];
	s0 =	sor.u32 $0x1C02, s0  }
0x64: {  	[hbm:s9], [sflag:s0] =	dma.local [spmem:s2], $0x800  }
0x65: {  	_ =	swait.ge [sflag:s20], $0x800  }
0x66: {  	[sflag:s20] =	ssyncset.done $0x0  }
0x67: {  	[sflag:s20] =	ssyncadd.s32 $0xFFFFF800  }
0x68: {  	[hbm:s15], [sflag:s0] =	dma.local [spmem:s22], $0x800  }
0x69: {  	_ =	swait.ge [sflag:s20], $0x800  }
0x6a: {  	[sflag:s20] =	ssyncset.done $0x0  }
0x6b: {  	[sflag:s20] =	ssyncadd.s32 $0xFFFFF800  }
0x6c: {  	[hbm:s16], [sflag:s0] =	dma.local [spmem:s23], $0x800  }
0x6d: {  	_ =	swait.ge [sflag:s20], $0x800  }
0x6e: {  	[sflag:s20] =	ssyncset.done $0x0  }
0x6f: {  	[sflag:s20] =	ssyncadd.s32 $0xFFFFF800  }
0x70: {  	[hbm:s17], [sflag:s0] =	dma.local [spmem:s24], $0x800  }
0x71: {  	s3 =	sadd.s32 $0x1, s3;
	_ =	swait.ge [sflag:s20], $0x800  }
0x72: {  	p0 =	sne.s32 s3, s10;
	[sflag:s20] =	ssyncset.done $0x0  }
.Ltmp3:
0x73: {  	[sflag:s20] =	ssyncadd.s32 $0xFFFFF800;
	(pc) =	sbr.rel @p0 .LBB2_1-.Ltmp3, $4  }
0x74: {  	[hbm:s18], [sflag:s0] =	dma.local [spmem:s25], $0x800  }
0x75: {  	_ =	swait.ge [sflag:s20], $0x800  }
0x76: {  	[sflag:s20] =	ssyncset.done $0x0  }
0x77: {  	[sflag:s20] =	ssyncadd.s32 $0xFFFFF800  }
0x78: {  	_ =	sfence.sel $0x180000  }
0x79: {  	[bflag:$0x0] =	sbarrier.arrive $0xFFFF  }
0x7a: {  	_ =	strace $0x9000004D  }
0x7b: {  	s0 =	stileid.u32;
	[bflag:$0x2] =	sbarrier.arrive $0xFFFF  }
0x7c: {  	p0 =	sne.s32 s0, $0x0;
	s0 =	rddreg [dreg:$0x2]  }
0x7d: {  	s0 =	sadd.s32 @!p0 $0x100000, s0  }
0x7e: {  	[sflag:s0] =	ssyncadd.tile.s32 @!p0 $0x1;
	_ =	shalt  }
.Lfunc_end2:
_tile_overlayer_lowered:
.L_overlay_start_2:
0x7f: {  	(tag) =	ssettag $0x2  }
0x80: {  	s0 =	rddreg [dreg:$0x0];
	s2 =	stileid.u32  }
0x81: {  	s1 =	rddreg [dreg:$0x1];
	p0 =	sne.s32 s2, $0x0  }
0x82: {  	s3 =	rddreg [dreg:$0x2];
	[bflag:$0x3] =	sbarrier.arrive $0xFFFF;
	s2 =	simm.s32 @!p0 $0x1C02  }
0x83: {  	[timem:s3], [sflag:s2] =	dma.local @!p0 [hbm:s0], s1  }
0x84: {  	s0 =	simm.s32 @!p0 $0x2  }
0x85: {  	_ =	swait.ge @!p0 [sflag:s0], s1  }
0x86: {  	s1 =	ssub.s32 @!p0 $0x0, s1;
	[sflag:s0] =	ssyncset.done @!p0 $0x0  }
0x87: {  	[sflag:s0] =	ssyncadd.s32 @!p0 s1  }
0x88: {  	[bflag:$0x3] =	sbarrier.arrive $0xFFFF  }
0x89: {  	_ =	shalt  }

// kernel: kernel.19.cloned.1.call-start
scs
__scs_entry_jumppad:
0x0: {  	(pc) =	sbr.rel $0x88, $3  }
0x1: {  	(tag) =	ssettag $0x0;
	lr =	simm.s32 $0x1  }
0x2: {  	[smem:$0x3F93] =	sst lr;
	_ =	strace $0xD0000000  }
0x3: {  	_ = 	snop  }
0x4: {  	_ = 	snop  }
0x5: {  	_ = 	snop  }
0x6: {  	_ = 	snop  }
0x7: {  	_ = 	snop  }
__scs_overlays_trampoline_lowered:
0x8: {  	[smem:$0x3FA2] =	sst s0  }
0x9: {  	[smem:$0x3FA3] =	sst s1  }
0xa: {  	[smem:$0x3FA4] =	sst s2  }
0xb: {  	[smem:$0x3FA5] =	sst s3  }
0xc: {  	[smem:$0x3FA6] =	sst s4  }
0xd: {  	[smem:$0x3FA7] =	sst s5  }
0xe: {  	[smem:$0x3FA8] =	sst s6  }
0xf: {  	[smem:$0x3FA9] =	sst s7  }
0x10: {  	[smem:$0x3FAA] =	sst s8  }
0x11: {  	[smem:$0x3FAB] =	sst s9;
	s0 =	simm.s32 @!p0 $0x0  }
0x12: {  	s1 =	sld [smem:$0x3F91];
	s0 =	simm.s32 @p0 $0x1  }
0x13: {  	[smem:$0x3FAC] =	sst s0;
	s0 =	simm.s32 @!p1 $0x0  }
0x14: {  	s2 =	sld [smem:$0x3F90];
	s0 =	simm.s32 @p1 $0x1  }
0x15: {  	[smem:$0x3FAD] =	sst s0;
	s0 =	simm.s32 @!p2 $0x0  }
0x16: {  	s3 =	sld [smem:$0x3FDB];
	s0 =	simm.s32 @p2 $0x1  }
0x17: {  	s4 =	simm.s32 $0x1BF5;
	[smem:$0x3FAF] =	sst s0  }
0x18: {  	s0 =	sld [smem:$0x3F92];
	_ =	swait.ge [sflag:s4], $0x0  }
0x19: {  	s7 =	sld [smem:$0x3F93]  }
0x1a: {  	s8 =	sadd.s32 $0xFFFFE003, lr  }
0x1b: {  	s9 =	sadd.s32 $0xFFFFFEF7, lr;
	s5 =	simm.s32 $0xFFFFFFFF;
	p2 =	slt.u32 s8, $0xFFFFF086  }
0x1c: {  	p1 =	slt.u32 s9, $0xF7A;
	s5 =	simm.s32 @!p2 $0x0  }
0x1d: {  	s5 =	simm.s32 @p1 $0x1;
	p0 =	seq.s32 s7, s2  }
0x1e: {  	s7 =	smul.u32 @!p0 $0xF7A, s2;
	p2 =	seq.s32 @!p0 s5, $0x0  }
0x1f: {  	s9 =	smul.u32 $0xF7A, s1;
	s8 =	simm.s32 @!p0 $0x1BF5;
	p2 =	por !p2, p0  }
0x20: {  	[sflag:s8] =	ssyncset.s32 @!p0 $0xFFFFF086;
	s6 =	sadd.s32 @!p0 s3, s7;
	s7 =	simm.s32 @!p0 $0x108  }
0x21: {  	s3 =	sadd.s32 s3, s9;
	s6 =	sadd.s32 @!p0 $0x88, s6;
	s7 =	simm.s32 @p2 $0x1082  }
0x22: {  	[simem:s7], [sflag:s8] =	dma.local @!p0 [hbm:s6], $0xF7A  }
0x23: {  	s9 =	sor.u32 $0xD0000000, s2;
	s6 =	simm.s32 $0x108;
	_ =	swait.ge @!p0 [sflag:s8], $0x0  }
0x24: {  	s3 =	sadd.s32 $0x88, s3;
	s6 =	simm.s32 @!p1 $0x1082;
	[sflag:s4] =	ssyncset.s32 $0xFFFFF086  }
0x25: {  	[simem:s6], [sflag:s4] =	dma.local [hbm:s3], $0xF7A  }
0x26: {  	[smem:$0x3F93] =	sst s1;
	(tag) =	ssettag s2;
	_ =	strace s9  }
0x27: {  	s1 =	sld [smem:$0x3FA3]  }
0x28: {  	s2 =	sld [smem:$0x3FA4]  }
0x29: {  	s4 =	sld [smem:$0x3FA6]  }
0x2a: {  	p0 =	seq.s32 s5, $0x0;
	s5 =	sld [smem:$0x3FA7]  }
0x2b: {  	s6 =	sld [smem:$0x3FA8]  }
0x2c: {  	s7 =	sld [smem:$0x3FA9]  }
0x2d: {  	s3 =	simm.s32 $0x108;
	s8 =	sld [smem:$0x3FAA]  }
0x2e: {  	s3 =	simm.s32 @!p0 $0x1082;
	s9 =	sld [smem:$0x3FAB]  }
0x2f: {  	lr =	sadd.s32 s0, s3;
	s0 =	sld [smem:$0x3FA2]  }
0x30: {  	s3 =	sld [smem:$0x3FA5]  }
0x31: {  	[smem:$0x3FAE] =	sst s10  }
0x32: {  	s10 =	sld [smem:$0x3FAC];
	_ =	sdelay $0x3  }
0x33: {  	p0 =	seq.s32 s10, $0x1;
	s10 =	sld [smem:$0x3FAE];
	_ =	sdelay $0x3  }
0x34: {  	[smem:$0x3FAE] =	sst s10  }
0x35: {  	s10 =	sld [smem:$0x3FAD];
	_ =	sdelay $0x3  }
0x36: {  	p1 =	seq.s32 s10, $0x1;
	s10 =	sld [smem:$0x3FAE];
	_ =	sdelay $0x3  }
0x37: {  	[smem:$0x3FAE] =	sst s10  }
0x38: {  	s10 =	sld [smem:$0x3FAF]  }
0x39: {  	_ = 	snop;
	(pc) =	sbr.ind lr, $3  }
0x3a: {  	_ = 	snop  }
0x3b: {  	_ = 	snop  }
0x3c: {  	p2 =	seq.s32 s10, $0x1;
	s10 =	sld [smem:$0x3FAE]  }
0x3d: {  	_ =	shalt  }
0x3e: {  	_ =	shalt  }
0x3f: {  	_ =	shalt  }
0x40: {  	_ =	shalt  }
0x41: {  	_ =	shalt  }
0x42: {  	_ =	shalt  }
0x43: {  	_ =	shalt  }
0x44: {  	_ =	shalt  }
0x45: {  	_ =	shalt  }
0x46: {  	_ =	shalt  }
0x47: {  	_ =	shalt  }
0x48: {  	_ =	shalt  }
0x49: {  	_ =	shalt  }
0x4a: {  	_ =	shalt  }
0x4b: {  	_ =	shalt  }
0x4c: {  	_ =	shalt  }
0x4d: {  	_ =	shalt  }
0x4e: {  	_ =	shalt  }
0x4f: {  	_ =	shalt  }
0x50: {  	_ =	shalt  }
0x51: {  	_ =	shalt  }
0x52: {  	_ =	shalt  }
0x53: {  	_ =	shalt  }
0x54: {  	_ =	shalt  }
0x55: {  	_ =	shalt  }
0x56: {  	_ =	shalt  }
0x57: {  	_ =	shalt  }
0x58: {  	_ =	shalt  }
0x59: {  	_ =	shalt  }
0x5a: {  	_ =	shalt  }
0x5b: {  	_ =	shalt  }
0x5c: {  	_ =	shalt  }
0x5d: {  	_ =	shalt  }
0x5e: {  	_ =	shalt  }
0x5f: {  	_ =	shalt  }
0x60: {  	_ =	shalt  }
0x61: {  	_ =	shalt  }
0x62: {  	_ =	shalt  }
0x63: {  	_ =	shalt  }
0x64: {  	_ =	shalt  }
0x65: {  	_ =	shalt  }
0x66: {  	_ =	shalt  }
0x67: {  	_ =	shalt  }
0x68: {  	_ =	shalt  }
0x69: {  	_ =	shalt  }
0x6a: {  	_ =	shalt  }
0x6b: {  	_ =	shalt  }
0x6c: {  	_ =	shalt  }
0x6d: {  	_ =	shalt  }
0x6e: {  	_ =	shalt  }
0x6f: {  	_ =	shalt  }
0x70: {  	_ =	shalt  }
0x71: {  	_ =	shalt  }
0x72: {  	_ =	shalt  }
0x73: {  	_ =	shalt  }
0x74: {  	_ =	shalt  }
0x75: {  	_ =	shalt  }
0x76: {  	_ =	shalt  }
0x77: {  	_ =	shalt  }
0x78: {  	_ =	shalt  }
0x79: {  	_ =	shalt  }
0x7a: {  	_ =	shalt  }
0x7b: {  	_ =	shalt  }
0x7c: {  	_ =	shalt  }
0x7d: {  	_ =	shalt  }
0x7e: {  	_ =	shalt  }
0x7f: {  	_ =	shalt  }
0x80: {  	_ =	shalt  }
0x81: {  	_ =	shalt  }
0x82: {  	_ =	shalt  }
0x83: {  	_ =	shalt  }
0x84: {  	_ =	shalt  }
0x85: {  	_ =	shalt  }
0x86: {  	_ =	shalt  }
0x87: {  	_ =	shalt  }
.Lfunc_end0:
.L_simem_size_0:
called_computation.3_lowered:
.L_overlay_start_0:
0x88: {  	s2 =	sld [smem:$0x3FD9]  }
0x89: {  	s3 =	sld [smem:$0x3FFE];
	_ =	sdelay $0x1  }
0x8a: {  	s1 =	srdreg.scid  }
0x8b: {  	s0 =	sand.u32 $0x1, s1  }
0x8c: {  	s17 =	sshll.u32 s0, $0xA;
	s2 =	sadd.s32 s3, s2  }
0x8d: {  	s2 =	sadd.s32 s2, s17  }
0x8e: {  	[smem:$0x3FBA] =	sst s2  }
0x8f: {  	_ = 	snop  }
0x90: {  	s2 =	sld [smem:$0x3FD0];
	(tm) =	ssettm $0x1  }
0x91: {  	s18 =	sld [smem:$0x3FFB];
	_ =	sdelay $0x3  }
0x92: {  	_ =	strace s18  }
0x93: {  	s3 =	sld [smem:$0x3FFC];
	_ =	sdelay $0x3  }
0x94: {  	_ =	strace s3  }
0x95: {  	s3 =	sld [smem:$0x3FFD];
	_ =	sdelay $0x3  }
0x96: {  	_ =	strace s3  }
0x97: {  	_ =	strace $0x8FFFFFFF  }
0x98: {  	s19 =	sld [smem:$0x3FDB];
	_ =	sdelay $0x1  }
0x99: {  	s4 =	simm.s32 $_scs_section_size  }
0x9a: {  	s5 =	simm.s32 $_size__tile_overlayer_lowered;
	s6 =	simm.s32 $_tile_overlayer_lowered  }
0x9b: {  	s22 =	simm.s32 $0x1BFF;
	s21 =	sshll.u32 s6, $0x1;
	s3 =	sadd.s32 s4, s19  }
0x9c: {  	s7 =	simm.s32 $0x0;
	s20 =	sshll.u32 s5, $0x1;
	s5 =	sadd.s32 s21, s3  }
0x9d: {  	[timem:s7], [sflag:s22] =	dma.local [hbm:s5], s20  }
0x9e: {  	_ =	swait.ge [sflag:s22], s20  }
0x9f: {  	s4 =	ssub.s32 $0x0, s20;
	[sflag:s22] =	ssyncset.done $0x0  }
0xa0: {  	[sflag:s22] =	ssyncadd.s32 s4;
	_ =	sdelay $0x1  }
0xa1: {  	s23 =	simm.s32 $0x1B8B  }
0xa2: {  	_ =	swait.ge [sflag:s23], $0x1  }
0xa3: {  	[sflag:s23] =	ssyncset.done $0x0  }
0xa4: {  	s25 =	simm.s32 $0x1B8E;
	s24 =	sld [smem:$0x3FFE];
	[sflag:s23] =	ssyncadd.s32 $0xFFFFFFFF  }
0xa5: {  	s26 =	simm.s32 $execute0_lowered;
	[smem:$0x3FD2] =	sst s25  }
0xa6: {  	s5 =	sshll.u32 s26, $0x1;
	_ =	strace $0x8000004F;
	[dreg:$0x1] =	wrdreg $0xFFFFFFFF  }
0xa7: {  	s28 =	simm.s32 $_size_execute0_lowered;
	s3 =	sadd.s32 s3, s5;
	[dreg:$0x0] =	wrdreg $0x0  }
0xa8: {  	s5 =	sshll.u32 s28, $0x1;
	[dreg:$0x2] =	wrdreg s3  }
0xa9: {  	[dreg:$0x3] =	wrdreg s5  }
0xaa: {  	[dreg:$0x4] =	wrdreg $0xC0  }
0xab: {  	_ =	task [dreg:s7], $0x5FFFF  }
0xac: {  	[dreg:$0x1] =	wrdreg $0xFFFFFFFF  }
0xad: {  	[dreg:$0x0] =	wrdreg $0x60  }
0xae: {  	[dreg:$0x2] =	wrdreg s24  }
0xaf: {  	[dreg:$0x3] =	wrdreg s2  }
0xb0: {  	[dreg:$0x4] =	wrdreg $0x9  }
0xb1: {  	_ =	task.clear_ibuf [dreg:s7], $0x5FFFF;
	_ =	strace $0x9000004F  }
0xb2: {  	s29 =	simm.s32 $0x9;
	_ =	strace $0x80000051  }
0xb3: {  	_ =	swait.ge [sflag:s29], $0x1  }
0xb4: {  	[sflag:s29] =	ssyncadd.s32 $0xFFFFFFFF  }
0xb5: {  	_ =	strace $0x90000051  }
0xb6: {  	_ =	sfence  }
0xb7: {  	s30 =	sld [smem:$0x0];
	_ =	sdelay $0x2  }
0xb8: {  	s31 =	sshll.u32 s1, $0xD;
	s1 =	sshrl.u32 s1, $0x2  }
0xb9: {  	s3 =	sand.u32 $0x4000, s31;
	s1 =	sadd.s32 s1, s30  }
0xba: {  	s0 =	sor.u32 s3, s0;
	s1 =	sshll.u32 s1, $0x11  }
0xbb: {  	s0 =	sor.u32 s1, s0  }
0xbc: {  	s0 =	sadd.s32 $0x8F2B, s0  }
0xbd: {  	[sflag:s0] =	ssyncadd.remote.s32 $0x1  }
0xbe: {  	_ =	sfence.sel $0xFFFF  }
0xbf: {  	[dreg:$0x0] =	wrdreg $0xFFFFFFFF;
	(pc) =	sbr.abs _section_cstart, $3  }
0xc0: {  	[dreg:$0x1] =	wrdreg $0xFFFFFFFF  }
0xc1: {  	_ =	task.clear_ibuf [dreg:s7], $0x2FFFF;
	_ =	strace $0x9FFFFFFF  }
0xc2: {  	(tm) =	ssettm $0x7FFFFFFF  }
0xc3: {  	_ =	shalt  }
tec
execute0_lowered:
.L_overlay_start_1:
0x0: {  	(tag) =	ssettag $0x1  }
0x1: {  	s1 =	srdreg.scid  }
0x2: {  	s0 =	stileid.u32;
	s4 =	rddreg [dreg:$0x0]  }
0x3: {  	s2 =	rddreg [dreg:$0x1];
	s3 =	simm.s32 $0x0;
	s9 =	simm.s32 $0x1  }
0x4: {  	s10 =	simm.s32 $0x2800;
	s11 =	simm.s32 $0x5000;
	s12 =	simm.s32 $0x7780  }
0x5: {  	s13 =	simm.s32 $0x9F00;
	s5 =	sand.u32 $0x1, s1;
	s30 =	sshll.u32 s0, $0x1  }
0x6: {  	s14 =	simm.s32 $0x0;
	s6 =	sor.u32 s5, s30;
	s5 =	ssub.s32 $0x2, s5  }
0x7: {  	[smem:$0x7FF] =	sst s3;
	s6 =	smul.u32 $0x4E2, s6;
	s31 =	sshrl.u32 s5, $0x1  }
0x8: {  	s1 =	rddreg [dreg:$0x2];
	_ =	strace $0x80000050;
	s8 =	ssub.s32 s5, s31  }
0x9: {  	s7 =	sadd.s32 s6, s4;
	s4 =	sadd.s32 $0x16C00, s4;
	s8 =	smax.u32 s8, $0x1  }
0xa: {  	s5 =	sadd.s32 $0x3000, s7;
	s6 =	sadd.s32 $0xCE00, s7;
	s7 =	sadd.s32 $0x17200, s7  }
.LBB2_1:
0xb: {  	[tilespmem:s3], [sflag:$0x1] =	stream.linear.gather [hbm4b:s4+s3], $0x2800, $0x38;
	[tilespmem:$0xC680] =	vst v63  }
0xc: {  	_ =	swait.ge [sflag:s9], $0x2800  }
0xd: {  	[sflag:s9] =	ssyncset.done $0x0  }
0xe: {  	[sflag:s9] =	ssyncadd.s32 $0xFFFFD800  }
0xf: {  	[tilespmem:s10], [sflag:$0x1] =	stream.linear.gather [hbm4b:s2+s3], $0x2800, $0x38;
	[tilespmem:$0xC680] =	vst v63  }
0x10: {  	_ =	swait.ge [sflag:s9], $0x2800  }
0x11: {  	[sflag:s9] =	ssyncset.done $0x0  }
0x12: {  	[sflag:s9] =	ssyncadd.s32 $0xFFFFD800  }
0x13: {  	[tilespmem:s11], [sflag:$0x1] =	stream.linear.gather [hbm4b:s5+s3], $0x2710, $0x38;
	[tilespmem:$0xC680] =	vst v63  }
0x14: {  	_ =	swait.ge [sflag:s9], $0x2710  }
0x15: {  	[sflag:s9] =	ssyncset.done $0x0  }
0x16: {  	[sflag:s9] =	ssyncadd.s32 $0xFFFFD8F0  }
0x17: {  	[tilespmem:s12], [sflag:$0x1] =	stream.linear.gather [hbm4b:s6+s3], $0x2710, $0x38;
	[tilespmem:$0xC680] =	vst v63  }
0x18: {  	_ =	swait.ge [sflag:s9], $0x2710  }
0x19: {  	[sflag:s9] =	ssyncset.done $0x0  }
0x1a: {  	s15 =	simm.s32 $0x0;
	[sflag:s9] =	ssyncadd.s32 $0xFFFFD8F0  }
0x1b: {  	v0 =	vld [tilespmem:s15+$0x7780]  }
0x1c: {  	v1 =	vld [tilespmem:s15+$0x5000];
	_ =	sdelay $0x6  }
0x1d: {  	v0 =	vld.idx.msk [tilespmem:v0+s10+$0x0], $0xffff  }
0x1e: {  	s16 =	simm.s32 $0x10;
	v2 =	vld.idx.msk [tilespmem:v1+s3+$0x0], $0xffff  }
0x1f: {  	s17 =	simm.s32 $0x80;
	v1 =	vld [tilespmem:s16+$0x7780]  }
.LBB2_2:
0x20: {  	p0 =	sne.s32 s17, $0x9C00;
	v3 =	vld [tilespmem:s16+$0x5000];
	_ =	sdelay $0x3  }
0x21: {  	v0 =	vadd.f32 v0, v2  }
.Ltmp0:
0x22: {  	(pc) =	sbr.rel @p0 .LBB2_2-.Ltmp0, $4  }
0x23: {  	[tilespmem:s15+$0x9F00] =	vst v0;
	s15 =	smov.u32 s16  }
0x24: {  	v0 =	vld.idx.msk [tilespmem:v1+s10+$0x0], $0xffff  }
0x25: {  	s16 =	sshra.s32 s17, $0x2;
	v2 =	vld.idx.msk [tilespmem:v3+s3+$0x0], $0xffff  }
0x26: {  	s17 =	sadd.s32 $0x40, s17;
	v1 =	vld [tilespmem:s16+$0x7780]  }
0x27: {  	_ = 	snop  }
0x28: {  	v3 =	vld [tilespmem:s16+$0x5000];
	_ =	sdelay $0x3  }
0x29: {  	v0 =	vadd.f32 v0, v2;
	_ =	sdelay $0x1  }
0x2a: {  	[tilespmem:s15+$0x9F00] =	vst v0  }
0x2b: {  	v0 =	vld.idx.msk [tilespmem:v1+s10+$0x0], $0xffff  }
0x2c: {  	v63 =	vld.idx.msk [tilespmem:v3+s3+$0x0], $0xffff;
	_ =	sdelay $0x4  }
0x2d: {  	s14 =	sadd.s32 $0x1, s14;
	v0 =	vadd.f32 v0, v63  }
0x2e: {  	p0 =	sne.s32 s14, s8  }
.Ltmp1:
0x2f: {  	[tilespmem:s16+$0x9F00] =	vst v0;
	(pc) =	sbr.rel @p0 .LBB2_1-.Ltmp1, $4  }
0x30: {  	[hbm4b:s7+s3] =	stream.linear.scatter [tilespmem:s13], [sflag:$0x1], $0x2710, $0x38;
	[tilespmem:$0xC680] =	vst v63  }
0x31: {  	_ =	swait.ge [sflag:s9], $0x2710  }
0x32: {  	[sflag:s9] =	ssyncset.done $0x0  }
0x33: {  	[sflag:s9] =	ssyncadd.s32 $0xFFFFD8F0  }
0x34: {  	_ =	sfence.sel $0x180000  }
0x35: {  	[bflag:$0x0] =	sbarrier.arrive $0xFFFF  }
0x36: {  	p0 =	sne.s32 s0, $0x0;
	_ =	strace $0x90000050  }
0x37: {  	s0 =	sadd.s32 @!p0 $0x100000, s1;
	[bflag:$0x2] =	sbarrier.arrive $0xFFFF  }
0x38: {  	[sflag:s0] =	ssyncadd.tile.s32 @!p0 $0x1;
	_ =	shalt  }
.Lfunc_end2:
_tile_overlayer_lowered:
.L_overlay_start_2:
0x39: {  	(tag) =	ssettag $0x2  }
0x3a: {  	s0 =	rddreg [dreg:$0x0];
	s2 =	stileid.u32  }
0x3b: {  	s1 =	rddreg [dreg:$0x1];
	p0 =	sne.s32 s2, $0x0  }
0x3c: {  	s3 =	rddreg [dreg:$0x2];
	[bflag:$0x3] =	sbarrier.arrive $0xFFFF;
	s2 =	simm.s32 @!p0 $0x1C01  }
0x3d: {  	[timem:s3], [sflag:s2] =	dma.local @!p0 [hbm:s0], s1  }
0x3e: {  	s0 =	simm.s32 @!p0 $0x1  }
0x3f: {  	_ =	swait.ge @!p0 [sflag:s0], s1  }
0x40: {  	s1 =	ssub.s32 @!p0 $0x0, s1;
	[sflag:s0] =	ssyncset.done @!p0 $0x0  }
0x41: {  	[sflag:s0] =	ssyncadd.s32 @!p0 s1  }
0x42: {  	[bflag:$0x3] =	sbarrier.arrive $0xFFFF  }
0x43: {  	_ =	shalt  }

</sc_bundles>
